<compile_context>
chip_gen: v7x
topology: tpu7x:2x2x1
jax: 0.10.2.dev20260603
libtpu: 0.0.44.dev20260713+nightly
codegen_flags: <defaults>
</compile_context>

<pallas_src>
import functools

import jax
import jax.numpy as jnp
from jax import lax
from jax.experimental import pallas as pl
from jax.experimental.pallas import tpu as pltpu
from jax.experimental.pallas import tpu_sc as plsc

LEAKY_RATE = 0.1
EPS = 1e-5
NPOINT = 2048
NSAMPLE = 16


def _leaky(x):
    return jnp.where(x >= 0, x, LEAKY_RATE * x)



_NLANE = 1024


def _fps_body(xyz_ref, idx_ref, newxyz_ref):
    B, _, NSUB, NL = xyz_ref.shape
    N = NSUB * NL
    S = idx_ref.shape[1]
    SSUB = S // NL
    x = xyz_ref[...]
    iota_n = (lax.broadcasted_iota(jnp.int32, (B, NSUB, NL), 1) * NL
              + lax.broadcasted_iota(jnp.int32, (B, NSUB, NL), 2))
    iota_s = (lax.broadcasted_iota(jnp.int32, (B, SSUB, NL), 1) * NL
              + lax.broadcasted_iota(jnp.int32, (B, SSUB, NL), 2))

    def extract(last):
        onehot = (iota_n == last).astype(jnp.float32)
        return jnp.sum(jnp.sum(x * onehot[:, None], axis=3), axis=2)

    def body(i, carry):
        dists, last, idxs, coords = carry
        pt = extract(last)
        coords = jnp.where(iota_s[:, None] == (i - 1),
                           pt[:, :, None, None], coords)
        d = jnp.sum((x - pt[:, :, None, None]) ** 2, axis=1)
        dists = jnp.minimum(dists, d)
        maxv = jnp.max(jnp.max(dists, axis=2, keepdims=True),
                       axis=1, keepdims=True)
        cand = jnp.where(dists == maxv, iota_n, N)
        nxt = jnp.min(jnp.min(cand, axis=2, keepdims=True),
                      axis=1, keepdims=True).astype(jnp.int32)
        idxs = jnp.where(iota_s == i, nxt, idxs)
        return dists, nxt, idxs, coords

    dists0 = jnp.full((B, NSUB, NL), 1e10, dtype=jnp.float32)
    last0 = jnp.zeros((B, 1, 1), jnp.int32)
    idxs0 = jnp.zeros((B, SSUB, NL), jnp.int32)
    coords0 = jnp.zeros((B, 3, SSUB, NL), jnp.float32)
    dists, last, idxs, coords = lax.fori_loop(
        1, S, body, (dists0, last0, idxs0, coords0))
    pt = extract(last)
    coords = jnp.where(iota_s[:, None] == (S - 1),
                       pt[:, :, None, None], coords)
    idx_ref[...] = idxs.reshape(B, S)
    newxyz_ref[...] = coords.reshape(B, 3, S)


def _fps(xyz):
    B, _, N = xyz.shape
    return pl.pallas_call(
        _fps_body,
        out_shape=(jax.ShapeDtypeStruct((B, NPOINT), jnp.int32),
                   jax.ShapeDtypeStruct((B, 3, NPOINT), jnp.float32)),
    )(xyz.reshape(B, 3, N // _NLANE, _NLANE))



_TQ = 256


def _knn_body(newxyz_ref, xyz_ref, idx_ref):
    _, _, N = xyz_ref.shape
    q = newxyz_ref[0]
    x = xyz_ref[0]
    qt = q.T
    inner = jnp.dot(qt, x, preferred_element_type=jnp.float32)
    qsq = jnp.sum(qt * qt, axis=1, keepdims=True)
    xsq = jnp.sum(x * x, axis=0, keepdims=True)
    d = (-2.0 * inner + qsq) + xsq
    iota = lax.broadcasted_iota(jnp.int32, (_TQ, N), 1)
    cols = []
    for _ in range(NSAMPLE):
        amin = jnp.argmin(d, axis=1).astype(jnp.int32)[:, None]
        cols.append(amin)
        d = jnp.where(iota == amin, jnp.inf, d)
    idx_ref[0] = jnp.concatenate(cols, axis=1)


def _knn(new_xyz_cn, xyz):
    B, _, N = xyz.shape
    grid = (B, NPOINT // _TQ)
    return pl.pallas_call(
        _knn_body,
        grid=grid,
        in_specs=[
            pl.BlockSpec((1, 3, _TQ), lambda b, t: (b, 0, t)),
            pl.BlockSpec((1, 3, N), lambda b, t: (b, 0, 0)),
        ],
        out_specs=pl.BlockSpec((1, _TQ, NSAMPLE), lambda b, t: (b, t, 0)),
        out_shape=jax.ShapeDtypeStruct((B, NPOINT, NSAMPLE), jnp.int32),
    )(new_xyz_cn, xyz)



_GROWS = 512
_RPW = _GROWS // 32


def _sc_gather(idx2d, feats):
    C = feats.shape[1]
    mesh = plsc.VectorSubcoreMesh(core_axis_name="c", subcore_axis_name="s")

    @functools.partial(
        pl.kernel,
        mesh=mesh,
        compiler_params=pltpu.CompilerParams(use_tc_tiling_on_sc=False),
        out_type=jax.ShapeDtypeStruct((_GROWS, 128, C), jnp.float32),
        scratch_types=[
            pltpu.VMEM((_RPW, 128), jnp.int32),
            pltpu.VMEM((_RPW, 128, C), jnp.float32),
            pltpu.SemaphoreType.DMA,
        ],
    )
    def gk(idx_hbm, feats_hbm, out_hbm, idx_v, rows_v, sem):
        wid = lax.axis_index("s") * 2 + lax.axis_index("c")
        base = wid * _RPW
        pltpu.sync_copy(idx_hbm.at[pl.ds(base, _RPW)], idx_v)
        copies = [
            pltpu.async_copy(feats_hbm.at[idx_v.at[j]], rows_v.at[j], sem)
            for j in range(_RPW)
        ]
        for cp in copies:
            cp.wait()
        pltpu.sync_copy(rows_v, out_hbm.at[pl.ds(base, _RPW)])

    return gk(idx2d, feats)



_TS1 = 512


def _d1_body(nbr_ref, ctr_ref, g_ref, s_ref):
    t = pl.program_id(0)
    x = nbr_ref[...]
    c = ctr_ref[...]
    cb = jnp.broadcast_to(c[:, None, :], (_TS1, NSAMPLE, 16)).reshape(
        _TS1 * NSAMPLE, 16)
    xn = x - cb
    xb = xn.astype(jnp.bfloat16).astype(jnp.float32)
    g = lax.dot_general(xb, xb, (((0,), (0,)), ((), ())),
                        precision=lax.Precision.HIGHEST,
                        preferred_element_type=jnp.float32)
    s = jnp.broadcast_to(jnp.sum(xb, axis=0, keepdims=True), (8, 16))

    @pl.when(t == 0)
    def _():
        g_ref[...] = g
        s_ref[...] = s

    @pl.when(t > 0)
    def _():
        g_ref[...] = g_ref[...] + g
        s_ref[...] = s_ref[...] + s


def _d2_body(nbr_ref, ctr_ref, wk_ref, par_ref, agg_ref, st_ref):
    x = nbr_ref[...]
    c = ctr_ref[...]
    cb = jnp.broadcast_to(c[:, None, :], (_TS1, NSAMPLE, 16)).reshape(
        _TS1 * NSAMPLE, 16)
    xn = x - cb
    xb = xn.astype(jnp.bfloat16).astype(jnp.float32)
    wkb = wk_ref[...].astype(jnp.bfloat16).astype(jnp.float32)
    kern = lax.dot_general(xb, wkb, (((1,), (1,)), ((), ())),
                           precision=lax.Precision.HIGHEST,
                           preferred_element_type=jnp.float32)
    kern = kern * par_ref[0:1, :] + par_ref[1:2, :]
    kern = _leaky(kern).astype(jnp.bfloat16).astype(jnp.float32)
    y = jnp.sum(xb * par_ref[2:3, :], axis=1, keepdims=True)
    agg = jnp.sum((kern * y).reshape(_TS1, NSAMPLE, 16), axis=1)
    agg_ref[...] = agg
    s1 = jnp.sum(agg)
    s2 = jnp.sum(agg * agg)
    row = lax.broadcasted_iota(jnp.int32, (1, 8, 128), 1)
    st_ref[...] = jnp.where(row == 0, s1, s2)


def _d3_body(agg_ref, wl_ref, bl_ref, ab_ref, out_ref):
    a = ab_ref[0:1, 0:1]
    cshift = ab_ref[1:2, 0:1]
    y = _leaky(agg_ref[...] * a + cshift)
    yb = y.astype(jnp.bfloat16).astype(jnp.float32)
    wlb = wl_ref[...].astype(jnp.bfloat16).astype(jnp.float32)
    z = lax.dot_general(yb, wlb, (((1,), (1,)), ((), ())),
                        precision=lax.Precision.HIGHEST,
                        preferred_element_type=jnp.float32) + bl_ref[...]
    z = _leaky(z)
    out_ref[0] = z.T



def kernel(xyz, points, W_kernel, gamma_k, beta_k, W_agg, gamma_a, beta_a,
           W_lin, b_lin):
    B, _, N = xyz.shape
    S, K = NPOINT, NSAMPLE
    fps_idx, new_xyz_cn = _fps(xyz)
    idx = _knn(new_xyz_cn, xyz)

    feats = jnp.concatenate(
        [xyz.transpose(0, 2, 1), points.transpose(0, 2, 1)], axis=-1
    ).reshape(B * N, 16)
    idxf = (idx + (jnp.arange(B, dtype=jnp.int32) * N)[:, None, None]
            ).reshape(_GROWS, 128)
    nbr = _sc_gather(idxf, feats).reshape(B * S * K, 16)

    ctr16 = jnp.concatenate(
        [new_xyz_cn.transpose(0, 2, 1).reshape(B * S, 3),
         jnp.zeros((B * S, 13), jnp.float32)], axis=1)

    T1 = (B * S) // _TS1
    g, s8 = pl.pallas_call(
        _d1_body,
        grid=(T1,),
        in_specs=[
            pl.BlockSpec((_TS1 * K, 16), lambda t: (t, 0)),
            pl.BlockSpec((_TS1, 16), lambda t: (t, 0)),
        ],
        out_specs=(pl.BlockSpec((16, 16), lambda t: (0, 0)),
                   pl.BlockSpec((8, 16), lambda t: (0, 0))),
        out_shape=(jax.ShapeDtypeStruct((16, 16), jnp.float32),
                   jax.ShapeDtypeStruct((8, 16), jnp.float32)),
    )(nbr, ctr16)

    M = B * S * K
    wkb = W_kernel.astype(jnp.bfloat16).astype(jnp.float32)
    xbar = s8[0] / M
    mean = wkb @ xbar
    e2 = jnp.sum((wkb @ (g / M)) * wkb, axis=1)
    var = e2 - mean ** 2
    scale = gamma_k / jnp.sqrt(var + EPS)
    shift = beta_k - mean * scale
    params = jnp.zeros((8, 16), jnp.float32)
    waggb = W_agg[0].astype(jnp.bfloat16).astype(jnp.float32)
    params = params.at[0].set(scale).at[1].set(shift).at[2].set(waggb)

    agg, st = pl.pallas_call(
        _d2_body,
        grid=(T1,),
        in_specs=[
            pl.BlockSpec((_TS1 * K, 16), lambda t: (t, 0)),
            pl.BlockSpec((_TS1, 16), lambda t: (t, 0)),
            pl.BlockSpec((16, 16), lambda t: (0, 0)),
            pl.BlockSpec((8, 16), lambda t: (0, 0)),
        ],
        out_specs=(pl.BlockSpec((_TS1, 16), lambda t: (t, 0)),
                   pl.BlockSpec((1, 8, 128), lambda t: (t, 0, 0))),
        out_shape=(jax.ShapeDtypeStruct((B * S, 16), jnp.float32),
                   jax.ShapeDtypeStruct((T1, 8, 128), jnp.float32)),
    )(nbr, ctr16, W_kernel, params)

    M2 = B * S * 16
    s1 = jnp.sum(st[:, 0, 0])
    s2 = jnp.sum(st[:, 1, 0])
    m2 = s1 / M2
    v2 = s2 / M2 - m2 ** 2
    a = gamma_a[0] / jnp.sqrt(v2 + EPS)
    cshift = beta_a[0] - m2 * a
    ab = jnp.zeros((8, 128), jnp.float32).at[0, 0].set(a).at[1, 0].set(cshift)

    TS3 = 1024
    new_feat = pl.pallas_call(
        _d3_body,
        grid=(B, S // TS3),
        in_specs=[
            pl.BlockSpec((TS3, 16), lambda b, t: (b * (S // TS3) + t, 0)),
            pl.BlockSpec((16, 16), lambda b, t: (0, 0)),
            pl.BlockSpec((1, 16), lambda b, t: (0, 0)),
            pl.BlockSpec((8, 128), lambda b, t: (0, 0)),
        ],
        out_specs=pl.BlockSpec((1, 16, TS3), lambda b, t: (b, 0, t)),
        out_shape=jax.ShapeDtypeStruct((B, 16, S), jnp.float32),
    )(agg, W_lin, b_lin.reshape(1, 16), ab)

    return (new_xyz_cn, new_feat, fps_idx)

# --- scband reference (transcript-rebuilt; emitter-appended) ---
"""Pipeline reference for scband-point-conv-k-25220047962578 (READ-ONLY COPY).

The authoritative reference and input builder live on the scoring server;
editing this copy changes nothing except your own understanding.
"""

import jax, jax.numpy as jnp
import numpy as np

LEAKY_RATE = 0.1
EPS = 1e-5
NPOINT = 2048
NSAMPLE = 16


def leaky_relu(x):
    return jnp.where(x >= 0, x, LEAKY_RATE * x)


def batch_norm(x, gamma, beta, axes):
    # training-mode batch norm (biased variance), channel-last layout
    mean = jnp.mean(x, axis=axes, keepdims=True)
    var = jnp.mean((x - mean) ** 2, axis=axes, keepdims=True)
    return (x - mean) / jnp.sqrt(var + EPS) * gamma + beta


def furthest_point_sample(xyz, npoint):
    # xyz: [B, N, 3], starts from index 0 like pointnet2_utils.furthest_point_sample
    B, N, _ = xyz.shape
    idxs = jnp.zeros((B, npoint), dtype=jnp.int32)
    dists = jnp.full((B, N), 1e10, dtype=xyz.dtype)
    last = jnp.zeros((B,), dtype=jnp.int32)

    def body(i, state):
        idxs, dists, last = state
        last_pt = jnp.take_along_axis(xyz, last[:, None, None], axis=1)  # [B,1,3]
        d = jnp.sum((xyz - last_pt) ** 2, axis=-1)  # [B,N]
        dists = jnp.minimum(dists, d)
        nxt = jnp.argmax(dists, axis=1).astype(jnp.int32)
        idxs = idxs.at[:, i].set(nxt)
        return (idxs, dists, nxt)

    idxs, _, _ = jax.lax.fori_loop(1, npoint, body, (idxs, dists, last))
    return idxs


def square_distance(src, dst):
    dist = -2.0 * jnp.matmul(src, dst.transpose(0, 2, 1))
    dist = dist + jnp.sum(src ** 2, axis=-1)[:, :, None]
    dist = dist + jnp.sum(dst ** 2, axis=-1)[:, None, :]
    return dist


def setup_inputs(seed: int = 0) -> dict:
    key = jax.random.key(seed)
    k1, k2, k3, k4, k5, k6 = jax.random.split(key, 6)
    B, N, D = 2, 8192, 13
    C_in, C_out = 16, 16
    xyz = jax.random.normal(k1, (B, 3, N), dtype=jnp.float32)
    points = jax.random.normal(k2, (B, D, N), dtype=jnp.float32)
    W_kernel = jax.random.normal(k3, (C_out, C_in), dtype=jnp.float32) * 0.1
    gamma_k = jnp.ones((C_out,), jnp.float32)
    beta_k = jnp.zeros((C_out,), jnp.float32)
    W_agg = jax.random.normal(k4, (1, C_in), dtype=jnp.float32) * 0.1
    gamma_a = jnp.ones((1,), jnp.float32)
    beta_a = jnp.zeros((1,), jnp.float32)
    W_lin = jax.random.normal(k5, (C_out, C_out), dtype=jnp.float32) * 0.1
    b_lin = jax.random.normal(k6, (C_out,), dtype=jnp.float32) * 0.01
    return {"xyz": xyz, "points": points, "W_kernel": W_kernel, "gamma_k": gamma_k,
            "beta_k": beta_k, "W_agg": W_agg, "gamma_a": gamma_a, "beta_a": beta_a,
            "W_lin": W_lin, "b_lin": b_lin}


def reference(xyz, points, W_kernel, gamma_k, beta_k, W_agg, gamma_a, beta_a, W_lin, b_lin):
    B = xyz.shape[0]
    xyz_t = xyz.transpose(0, 2, 1)      # [B,N,3]
    points_t = points.transpose(0, 2, 1)  # [B,N,D]
    fps_idx = furthest_point_sample(xyz_t, NPOINT)               # [B,S]
    new_xyz = jnp.take_along_axis(xyz_t, fps_idx[:, :, None], axis=1)  # [B,S,3]
    sqrdists = square_distance(new_xyz, xyz_t)                   # [B,S,N]
    _, idx = jax.lax.top_k(-sqrdists, NSAMPLE)                   # [B,S,K]
    bidx = jnp.arange(B)[:, None, None]
    grouped_xyz = xyz_t[bidx, idx]                               # [B,S,K,3]
    grouped_xyz_norm = grouped_xyz - new_xyz[:, :, None, :]
    grouped_points = points_t[bidx, idx]                         # [B,S,K,D]
    new_points = jnp.concatenate([grouped_xyz_norm, grouped_points], axis=-1)  # [B,S,K,Cin]
    # kernel branch: 1x1 conv (no bias) + BN (training mode) + leaky relu
    kern = jnp.einsum('bskc,oc->bsko', new_points, W_kernel)     # [B,S,K,Cout]
    kern = batch_norm(kern, gamma_k, beta_k, (0, 1, 2))
    kern = leaky_relu(kern)
    kern = kern.transpose(0, 1, 3, 2)                            # [B,S,Cout,K]
    aggregation = jnp.matmul(kern, new_points)                   # [B,S,Cout,Cin]
    agg = jnp.einsum('bsoc,c->bso', aggregation, W_agg[0])       # [B,S,Cout]
    # BN2d with 1 channel -> normalize over all elements
    m = jnp.mean(agg)
    v = jnp.mean((agg - m) ** 2)
    agg = (agg - m) / jnp.sqrt(v + EPS) * gamma_a[0] + beta_a[0]
    agg = leaky_relu(agg)
    new_feat = agg @ W_lin.T + b_lin                             # [B,S,Cout]
    new_feat = new_feat.transpose(0, 2, 1)                       # [B,Cout,S]
    new_feat = leaky_relu(new_feat)
    return (new_xyz.transpose(0, 2, 1), new_feat, fps_idx)

if __name__ == "__main__":
    import jax
    _d = setup_inputs()
    print(jax.jit(kernel)(*tuple(_d.values())))

</pallas_src>

<mosaic_0001>
#map = affine_map<(d0, d1) -> (0, 0)>
#map1 = affine_map<(d0, d1) -> (0, 0, 0)>
module attributes {stable_mosaic.version = 14 : i64} {
  func.func @gk(%arg0: i32, %arg1: i32, %arg2: memref<512x128xi32, #tpu.memory_space<hbm>>, %arg3: memref<16384x16xf32, #tpu.memory_space<hbm>>, %arg4: memref<512x128x16xf32, #tpu.memory_space<hbm>>, %arg5: memref<16x128xi32, #tpu.memory_space<vmem>>, %arg6: memref<16x128x16xf32, #tpu.memory_space<vmem>>, %arg7: memref<!tpu.dma_semaphore, #tpu.memory_space<semaphore_mem>>) attributes {dimension_semantics = [#tpu.dimension_semantics<core_parallel>, #tpu.dimension_semantics<subcore_parallel>], iteration_bounds = array<i64: 2, 16>, scalar_prefetch = 0 : i64, scratch_operands = 3 : i64, tpu.core_type = #tpu.core_type<sc_vector_subcore>, window_params = [{transform_indices = #map}, {transform_indices = #map}, {transform_indices = #map1}]} {
    %mul3A = arith.constant 2 : i32
    %mul3A_0 = arith.muli %arg1, %mul3A : i32
    %add3A = arith.addi %mul3A_0, %arg0 : i32
    %mul3A_1 = arith.constant 16 : i32
    %mul3A_2 = arith.muli %add3A, %mul3A_1 : i32
    "tpu.region"() ({
      %run_scoped3A = tpu.sem_alloc : memref<!tpu.dma_semaphore, #tpu.memory_space<semaphore_mem>>
      %dma_start3A_385 = arith.constant 0 : i32
      %dma_start3A_386 = tpu.memref_slice %arg2[%mul3A_2, %dma_start3A_385] : memref<512x128xi32, #tpu.memory_space<hbm>> -> memref<16x128xi32, #tpu.memory_space<hbm>>
      %dma_start3A_387 = arith.constant 0 : i32
      %dma_start3A_388 = tpu.memref_slice %arg2[%mul3A_2, %dma_start3A_387] : memref<512x128xi32, #tpu.memory_space<hbm>> -> memref<16x128xi32, #tpu.memory_space<hbm>>
      tpu.enqueue_dma source(%dma_start3A_388 : memref<16x128xi32, #tpu.memory_space<hbm>>) target(%arg5 : memref<16x128xi32, #tpu.memory_space<vmem>>) target_semaphore(%run_scoped3A : memref<!tpu.dma_semaphore, #tpu.memory_space<semaphore_mem>>)
      %dma_wait3A_389 = arith.constant 0 : i32
      %dma_wait3A_390 = tpu.memref_slice %arg2[%mul3A_2, %dma_wait3A_389] : memref<512x128xi32, #tpu.memory_space<hbm>> -> memref<16x128xi32, #tpu.memory_space<hbm>>
      %dma_wait3A_391 = arith.constant 0 : i32
      %dma_wait3A_392 = tpu.memref_slice %arg2[%mul3A_2, %dma_wait3A_391] : memref<512x128xi32, #tpu.memory_space<hbm>> -> memref<16x128xi32, #tpu.memory_space<hbm>>
      tpu.wait_dma2 semaphore(%run_scoped3A : memref<!tpu.dma_semaphore, #tpu.memory_space<semaphore_mem>>) src(%dma_wait3A_392 : memref<16x128xi32, #tpu.memory_space<hbm>>) dst(%arg5 : memref<16x128xi32, #tpu.memory_space<vmem>>)
      tpu.yield
    }) : () -> ()
    %dma_start3A = arith.constant 0 : i32
    %dma_start3A_3 = arith.constant 0 : i32
    %dma_start3A_4 = arith.constant 0 : i32
    %dma_start3A_5 = arith.constant 0 : i32
    %dma_start3A_6 = tpu.memref_slice %arg6[%dma_start3A_3, %dma_start3A_4, %dma_start3A_5] : memref<16x128x16xf32, #tpu.memory_space<vmem>> -> memref<1x128x16xf32, #tpu.memory_space<vmem>>
    %dma_start3A_7 = tpu.memref_squeeze %dma_start3A_6 : memref<1x128x16xf32, #tpu.memory_space<vmem>> -> memref<128x16xf32, #tpu.memory_space<vmem>>
    %dma_start3A_8 = arith.constant 0 : i32
    %dma_start3A_9 = tpu.memref_slice %arg5[%dma_start3A, %dma_start3A_8] : memref<16x128xi32, #tpu.memory_space<vmem>> -> memref<1x128xi32, #tpu.memory_space<vmem>>
    %dma_start3A_10 = tpu.memref_squeeze %dma_start3A_9 : memref<1x128xi32, #tpu.memory_space<vmem>> -> memref<128xi32, #tpu.memory_space<vmem>>
    %dma_start3A_11 = arith.constant 0 : i32
    %dma_start3A_12 = arith.constant 0 : i32
    %dma_start3A_13 = tpu.memref_slice %arg3[%dma_start3A_11, %dma_start3A_12] : memref<16384x16xf32, #tpu.memory_space<hbm>> -> memref<16384x16xf32, #tpu.memory_space<hbm>>
    tpu.enqueue_indirect_dma source(%dma_start3A_13 : memref<16384x16xf32, #tpu.memory_space<hbm>>) target(%dma_start3A_7 : memref<128x16xf32, #tpu.memory_space<vmem>>) offsets(%dma_start3A_10 : memref<128xi32, #tpu.memory_space<vmem>>) semaphore(%arg7 : memref<!tpu.dma_semaphore, #tpu.memory_space<semaphore_mem>>)
    %dma_start3A_14 = arith.constant 1 : i32
    %dma_start3A_15 = arith.constant 1 : i32
    %dma_start3A_16 = arith.constant 0 : i32
    %dma_start3A_17 = arith.constant 0 : i32
    %dma_start3A_18 = tpu.memref_slice %arg6[%dma_start3A_15, %dma_start3A_16, %dma_start3A_17] : memref<16x128x16xf32, #tpu.memory_space<vmem>> -> memref<1x128x16xf32, #tpu.memory_space<vmem>>
    %dma_start3A_19 = tpu.memref_squeeze %dma_start3A_18 : memref<1x128x16xf32, #tpu.memory_space<vmem>> -> memref<128x16xf32, #tpu.memory_space<vmem>>
    %dma_start3A_20 = arith.constant 0 : i32
    %dma_start3A_21 = tpu.memref_slice %arg5[%dma_start3A_14, %dma_start3A_20] : memref<16x128xi32, #tpu.memory_space<vmem>> -> memref<1x128xi32, #tpu.memory_space<vmem>>
    %dma_start3A_22 = tpu.memref_squeeze %dma_start3A_21 : memref<1x128xi32, #tpu.memory_space<vmem>> -> memref<128xi32, #tpu.memory_space<vmem>>
    %dma_start3A_23 = arith.constant 0 : i32
    %dma_start3A_24 = arith.constant 0 : i32
    %dma_start3A_25 = tpu.memref_slice %arg3[%dma_start3A_23, %dma_start3A_24] : memref<16384x16xf32, #tpu.memory_space<hbm>> -> memref<16384x16xf32, #tpu.memory_space<hbm>>
    tpu.enqueue_indirect_dma source(%dma_start3A_25 : memref<16384x16xf32, #tpu.memory_space<hbm>>) target(%dma_start3A_19 : memref<128x16xf32, #tpu.memory_space<vmem>>) offsets(%dma_start3A_22 : memref<128xi32, #tpu.memory_space<vmem>>) semaphore(%arg7 : memref<!tpu.dma_semaphore, #tpu.memory_space<semaphore_mem>>)
    %dma_start3A_26 = arith.constant 2 : i32
    %dma_start3A_27 = arith.constant 2 : i32
    %dma_start3A_28 = arith.constant 0 : i32
    %dma_start3A_29 = arith.constant 0 : i32
    %dma_start3A_30 = tpu.memref_slice %arg6[%dma_start3A_27, %dma_start3A_28, %dma_start3A_29] : memref<16x128x16xf32, #tpu.memory_space<vmem>> -> memref<1x128x16xf32, #tpu.memory_space<vmem>>
    %dma_start3A_31 = tpu.memref_squeeze %dma_start3A_30 : memref<1x128x16xf32, #tpu.memory_space<vmem>> -> memref<128x16xf32, #tpu.memory_space<vmem>>
    %dma_start3A_32 = arith.constant 0 : i32
    %dma_start3A_33 = tpu.memref_slice %arg5[%dma_start3A_26, %dma_start3A_32] : memref<16x128xi32, #tpu.memory_space<vmem>> -> memref<1x128xi32, #tpu.memory_space<vmem>>
    %dma_start3A_34 = tpu.memref_squeeze %dma_start3A_33 : memref<1x128xi32, #tpu.memory_space<vmem>> -> memref<128xi32, #tpu.memory_space<vmem>>
    %dma_start3A_35 = arith.constant 0 : i32
    %dma_start3A_36 = arith.constant 0 : i32
    %dma_start3A_37 = tpu.memref_slice %arg3[%dma_start3A_35, %dma_start3A_36] : memref<16384x16xf32, #tpu.memory_space<hbm>> -> memref<16384x16xf32, #tpu.memory_space<hbm>>
    tpu.enqueue_indirect_dma source(%dma_start3A_37 : memref<16384x16xf32, #tpu.memory_space<hbm>>) target(%dma_start3A_31 : memref<128x16xf32, #tpu.memory_space<vmem>>) offsets(%dma_start3A_34 : memref<128xi32, #tpu.memory_space<vmem>>) semaphore(%arg7 : memref<!tpu.dma_semaphore, #tpu.memory_space<semaphore_mem>>)
    %dma_start3A_38 = arith.constant 3 : i32
    %dma_start3A_39 = arith.constant 3 : i32
    %dma_start3A_40 = arith.constant 0 : i32
    %dma_start3A_41 = arith.constant 0 : i32
    %dma_start3A_42 = tpu.memref_slice %arg6[%dma_start3A_39, %dma_start3A_40, %dma_start3A_41] : memref<16x128x16xf32, #tpu.memory_space<vmem>> -> memref<1x128x16xf32, #tpu.memory_space<vmem>>
    %dma_start3A_43 = tpu.memref_squeeze %dma_start3A_42 : memref<1x128x16xf32, #tpu.memory_space<vmem>> -> memref<128x16xf32, #tpu.memory_space<vmem>>
    %dma_start3A_44 = arith.constant 0 : i32
    %dma_start3A_45 = tpu.memref_slice %arg5[%dma_start3A_38, %dma_start3A_44] : memref<16x128xi32, #tpu.memory_space<vmem>> -> memref<1x128xi32, #tpu.memory_space<vmem>>
    %dma_start3A_46 = tpu.memref_squeeze %dma_start3A_45 : memref<1x128xi32, #tpu.memory_space<vmem>> -> memref<128xi32, #tpu.memory_space<vmem>>
    %dma_start3A_47 = arith.constant 0 : i32
    %dma_start3A_48 = arith.constant 0 : i32
    %dma_start3A_49 = tpu.memref_slice %arg3[%dma_start3A_47, %dma_start3A_48] : memref<16384x16xf32, #tpu.memory_space<hbm>> -> memref<16384x16xf32, #tpu.memory_space<hbm>>
    tpu.enqueue_indirect_dma source(%dma_start3A_49 : memref<16384x16xf32, #tpu.memory_space<hbm>>) target(%dma_start3A_43 : memref<128x16xf32, #tpu.memory_space<vmem>>) offsets(%dma_start3A_46 : memref<128xi32, #tpu.memory_space<vmem>>) semaphore(%arg7 : memref<!tpu.dma_semaphore, #tpu.memory_space<semaphore_mem>>)
    %dma_start3A_50 = arith.constant 4 : i32
    %dma_start3A_51 = arith.constant 4 : i32
    %dma_start3A_52 = arith.constant 0 : i32
    %dma_start3A_53 = arith.constant 0 : i32
    %dma_start3A_54 = tpu.memref_slice %arg6[%dma_start3A_51, %dma_start3A_52, %dma_start3A_53] : memref<16x128x16xf32, #tpu.memory_space<vmem>> -> memref<1x128x16xf32, #tpu.memory_space<vmem>>
    %dma_start3A_55 = tpu.memref_squeeze %dma_start3A_54 : memref<1x128x16xf32, #tpu.memory_space<vmem>> -> memref<128x16xf32, #tpu.memory_space<vmem>>
    %dma_start3A_56 = arith.constant 0 : i32
    %dma_start3A_57 = tpu.memref_slice %arg5[%dma_start3A_50, %dma_start3A_56] : memref<16x128xi32, #tpu.memory_space<vmem>> -> memref<1x128xi32, #tpu.memory_space<vmem>>
    %dma_start3A_58 = tpu.memref_squeeze %dma_start3A_57 : memref<1x128xi32, #tpu.memory_space<vmem>> -> memref<128xi32, #tpu.memory_space<vmem>>
    %dma_start3A_59 = arith.constant 0 : i32
    %dma_start3A_60 = arith.constant 0 : i32
    %dma_start3A_61 = tpu.memref_slice %arg3[%dma_start3A_59, %dma_start3A_60] : memref<16384x16xf32, #tpu.memory_space<hbm>> -> memref<16384x16xf32, #tpu.memory_space<hbm>>
    tpu.enqueue_indirect_dma source(%dma_start3A_61 : memref<16384x16xf32, #tpu.memory_space<hbm>>) target(%dma_start3A_55 : memref<128x16xf32, #tpu.memory_space<vmem>>) offsets(%dma_start3A_58 : memref<128xi32, #tpu.memory_space<vmem>>) semaphore(%arg7 : memref<!tpu.dma_semaphore, #tpu.memory_space<semaphore_mem>>)
    %dma_start3A_62 = arith.constant 5 : i32
    %dma_start3A_63 = arith.constant 5 : i32
    %dma_start3A_64 = arith.constant 0 : i32
    %dma_start3A_65 = arith.constant 0 : i32
    %dma_start3A_66 = tpu.memref_slice %arg6[%dma_start3A_63, %dma_start3A_64, %dma_start3A_65] : memref<16x128x16xf32, #tpu.memory_space<vmem>> -> memref<1x128x16xf32, #tpu.memory_space<vmem>>
    %dma_start3A_67 = tpu.memref_squeeze %dma_start3A_66 : memref<1x128x16xf32, #tpu.memory_space<vmem>> -> memref<128x16xf32, #tpu.memory_space<vmem>>
    %dma_start3A_68 = arith.constant 0 : i32
    %dma_start3A_69 = tpu.memref_slice %arg5[%dma_start3A_62, %dma_start3A_68] : memref<16x128xi32, #tpu.memory_space<vmem>> -> memref<1x128xi32, #tpu.memory_space<vmem>>
    %dma_start3A_70 = tpu.memref_squeeze %dma_start3A_69 : memref<1x128xi32, #tpu.memory_space<vmem>> -> memref<128xi32, #tpu.memory_space<vmem>>
    %dma_start3A_71 = arith.constant 0 : i32
    %dma_start3A_72 = arith.constant 0 : i32
    %dma_start3A_73 = tpu.memref_slice %arg3[%dma_start3A_71, %dma_start3A_72] : memref<16384x16xf32, #tpu.memory_space<hbm>> -> memref<16384x16xf32, #tpu.memory_space<hbm>>
    tpu.enqueue_indirect_dma source(%dma_start3A_73 : memref<16384x16xf32, #tpu.memory_space<hbm>>) target(%dma_start3A_67 : memref<128x16xf32, #tpu.memory_space<vmem>>) offsets(%dma_start3A_70 : memref<128xi32, #tpu.memory_space<vmem>>) semaphore(%arg7 : memref<!tpu.dma_semaphore, #tpu.memory_space<semaphore_mem>>)
    %dma_start3A_74 = arith.constant 6 : i32
    %dma_start3A_75 = arith.constant 6 : i32
    %dma_start3A_76 = arith.constant 0 : i32
    %dma_start3A_77 = arith.constant 0 : i32
    %dma_start3A_78 = tpu.memref_slice %arg6[%dma_start3A_75, %dma_start3A_76, %dma_start3A_77] : memref<16x128x16xf32, #tpu.memory_space<vmem>> -> memref<1x128x16xf32, #tpu.memory_space<vmem>>
    %dma_start3A_79 = tpu.memref_squeeze %dma_start3A_78 : memref<1x128x16xf32, #tpu.memory_space<vmem>> -> memref<128x16xf32, #tpu.memory_space<vmem>>
    %dma_start3A_80 = arith.constant 0 : i32
    %dma_start3A_81 = tpu.memref_slice %arg5[%dma_start3A_74, %dma_start3A_80] : memref<16x128xi32, #tpu.memory_space<vmem>> -> memref<1x128xi32, #tpu.memory_space<vmem>>
    %dma_start3A_82 = tpu.memref_squeeze %dma_start3A_81 : memref<1x128xi32, #tpu.memory_space<vmem>> -> memref<128xi32, #tpu.memory_space<vmem>>
    %dma_start3A_83 = arith.constant 0 : i32
    %dma_start3A_84 = arith.constant 0 : i32
    %dma_start3A_85 = tpu.memref_slice %arg3[%dma_start3A_83, %dma_start3A_84] : memref<16384x16xf32, #tpu.memory_space<hbm>> -> memref<16384x16xf32, #tpu.memory_space<hbm>>
    tpu.enqueue_indirect_dma source(%dma_start3A_85 : memref<16384x16xf32, #tpu.memory_space<hbm>>) target(%dma_start3A_79 : memref<128x16xf32, #tpu.memory_space<vmem>>) offsets(%dma_start3A_82 : memref<128xi32, #tpu.memory_space<vmem>>) semaphore(%arg7 : memref<!tpu.dma_semaphore, #tpu.memory_space<semaphore_mem>>)
    %dma_start3A_86 = arith.constant 7 : i32
    %dma_start3A_87 = arith.constant 7 : i32
    %dma_start3A_88 = arith.constant 0 : i32
    %dma_start3A_89 = arith.constant 0 : i32
    %dma_start3A_90 = tpu.memref_slice %arg6[%dma_start3A_87, %dma_start3A_88, %dma_start3A_89] : memref<16x128x16xf32, #tpu.memory_space<vmem>> -> memref<1x128x16xf32, #tpu.memory_space<vmem>>
    %dma_start3A_91 = tpu.memref_squeeze %dma_start3A_90 : memref<1x128x16xf32, #tpu.memory_space<vmem>> -> memref<128x16xf32, #tpu.memory_space<vmem>>
    %dma_start3A_92 = arith.constant 0 : i32
    %dma_start3A_93 = tpu.memref_slice %arg5[%dma_start3A_86, %dma_start3A_92] : memref<16x128xi32, #tpu.memory_space<vmem>> -> memref<1x128xi32, #tpu.memory_space<vmem>>
    %dma_start3A_94 = tpu.memref_squeeze %dma_start3A_93 : memref<1x128xi32, #tpu.memory_space<vmem>> -> memref<128xi32, #tpu.memory_space<vmem>>
    %dma_start3A_95 = arith.constant 0 : i32
    %dma_start3A_96 = arith.constant 0 : i32
    %dma_start3A_97 = tpu.memref_slice %arg3[%dma_start3A_95, %dma_start3A_96] : memref<16384x16xf32, #tpu.memory_space<hbm>> -> memref<16384x16xf32, #tpu.memory_space<hbm>>
    tpu.enqueue_indirect_dma source(%dma_start3A_97 : memref<16384x16xf32, #tpu.memory_space<hbm>>) target(%dma_start3A_91 : memref<128x16xf32, #tpu.memory_space<vmem>>) offsets(%dma_start3A_94 : memref<128xi32, #tpu.memory_space<vmem>>) semaphore(%arg7 : memref<!tpu.dma_semaphore, #tpu.memory_space<semaphore_mem>>)
    %dma_start3A_98 = arith.constant 8 : i32
    %dma_start3A_99 = arith.constant 8 : i32
    %dma_start3A_100 = arith.constant 0 : i32
    %dma_start3A_101 = arith.constant 0 : i32
    %dma_start3A_102 = tpu.memref_slice %arg6[%dma_start3A_99, %dma_start3A_100, %dma_start3A_101] : memref<16x128x16xf32, #tpu.memory_space<vmem>> -> memref<1x128x16xf32, #tpu.memory_space<vmem>>
    %dma_start3A_103 = tpu.memref_squeeze %dma_start3A_102 : memref<1x128x16xf32, #tpu.memory_space<vmem>> -> memref<128x16xf32, #tpu.memory_space<vmem>>
    %dma_start3A_104 = arith.constant 0 : i32
    %dma_start3A_105 = tpu.memref_slice %arg5[%dma_start3A_98, %dma_start3A_104] : memref<16x128xi32, #tpu.memory_space<vmem>> -> memref<1x128xi32, #tpu.memory_space<vmem>>
    %dma_start3A_106 = tpu.memref_squeeze %dma_start3A_105 : memref<1x128xi32, #tpu.memory_space<vmem>> -> memref<128xi32, #tpu.memory_space<vmem>>
    %dma_start3A_107 = arith.constant 0 : i32
    %dma_start3A_108 = arith.constant 0 : i32
    %dma_start3A_109 = tpu.memref_slice %arg3[%dma_start3A_107, %dma_start3A_108] : memref<16384x16xf32, #tpu.memory_space<hbm>> -> memref<16384x16xf32, #tpu.memory_space<hbm>>
    tpu.enqueue_indirect_dma source(%dma_start3A_109 : memref<16384x16xf32, #tpu.memory_space<hbm>>) target(%dma_start3A_103 : memref<128x16xf32, #tpu.memory_space<vmem>>) offsets(%dma_start3A_106 : memref<128xi32, #tpu.memory_space<vmem>>) semaphore(%arg7 : memref<!tpu.dma_semaphore, #tpu.memory_space<semaphore_mem>>)
    %dma_start3A_110 = arith.constant 9 : i32
    %dma_start3A_111 = arith.constant 9 : i32
    %dma_start3A_112 = arith.constant 0 : i32
    %dma_start3A_113 = arith.constant 0 : i32
    %dma_start3A_114 = tpu.memref_slice %arg6[%dma_start3A_111, %dma_start3A_112, %dma_start3A_113] : memref<16x128x16xf32, #tpu.memory_space<vmem>> -> memref<1x128x16xf32, #tpu.memory_space<vmem>>
    %dma_start3A_115 = tpu.memref_squeeze %dma_start3A_114 : memref<1x128x16xf32, #tpu.memory_space<vmem>> -> memref<128x16xf32, #tpu.memory_space<vmem>>
    %dma_start3A_116 = arith.constant 0 : i32
    %dma_start3A_117 = tpu.memref_slice %arg5[%dma_start3A_110, %dma_start3A_116] : memref<16x128xi32, #tpu.memory_space<vmem>> -> memref<1x128xi32, #tpu.memory_space<vmem>>
    %dma_start3A_118 = tpu.memref_squeeze %dma_start3A_117 : memref<1x128xi32, #tpu.memory_space<vmem>> -> memref<128xi32, #tpu.memory_space<vmem>>
    %dma_start3A_119 = arith.constant 0 : i32
    %dma_start3A_120 = arith.constant 0 : i32
    %dma_start3A_121 = tpu.memref_slice %arg3[%dma_start3A_119, %dma_start3A_120] : memref<16384x16xf32, #tpu.memory_space<hbm>> -> memref<16384x16xf32, #tpu.memory_space<hbm>>
    tpu.enqueue_indirect_dma source(%dma_start3A_121 : memref<16384x16xf32, #tpu.memory_space<hbm>>) target(%dma_start3A_115 : memref<128x16xf32, #tpu.memory_space<vmem>>) offsets(%dma_start3A_118 : memref<128xi32, #tpu.memory_space<vmem>>) semaphore(%arg7 : memref<!tpu.dma_semaphore, #tpu.memory_space<semaphore_mem>>)
    %dma_start3A_122 = arith.constant 10 : i32
    %dma_start3A_123 = arith.constant 10 : i32
    %dma_start3A_124 = arith.constant 0 : i32
    %dma_start3A_125 = arith.constant 0 : i32
    %dma_start3A_126 = tpu.memref_slice %arg6[%dma_start3A_123, %dma_start3A_124, %dma_start3A_125] : memref<16x128x16xf32, #tpu.memory_space<vmem>> -> memref<1x128x16xf32, #tpu.memory_space<vmem>>
    %dma_start3A_127 = tpu.memref_squeeze %dma_start3A_126 : memref<1x128x16xf32, #tpu.memory_space<vmem>> -> memref<128x16xf32, #tpu.memory_space<vmem>>
    %dma_start3A_128 = arith.constant 0 : i32
    %dma_start3A_129 = tpu.memref_slice %arg5[%dma_start3A_122, %dma_start3A_128] : memref<16x128xi32, #tpu.memory_space<vmem>> -> memref<1x128xi32, #tpu.memory_space<vmem>>
    %dma_start3A_130 = tpu.memref_squeeze %dma_start3A_129 : memref<1x128xi32, #tpu.memory_space<vmem>> -> memref<128xi32, #tpu.memory_space<vmem>>
    %dma_start3A_131 = arith.constant 0 : i32
    %dma_start3A_132 = arith.constant 0 : i32
    %dma_start3A_133 = tpu.memref_slice %arg3[%dma_start3A_131, %dma_start3A_132] : memref<16384x16xf32, #tpu.memory_space<hbm>> -> memref<16384x16xf32, #tpu.memory_space<hbm>>
    tpu.enqueue_indirect_dma source(%dma_start3A_133 : memref<16384x16xf32, #tpu.memory_space<hbm>>) target(%dma_start3A_127 : memref<128x16xf32, #tpu.memory_space<vmem>>) offsets(%dma_start3A_130 : memref<128xi32, #tpu.memory_space<vmem>>) semaphore(%arg7 : memref<!tpu.dma_semaphore, #tpu.memory_space<semaphore_mem>>)
    %dma_start3A_134 = arith.constant 11 : i32
    %dma_start3A_135 = arith.constant 11 : i32
    %dma_start3A_136 = arith.constant 0 : i32
    %dma_start3A_137 = arith.constant 0 : i32
    %dma_start3A_138 = tpu.memref_slice %arg6[%dma_start3A_135, %dma_start3A_136, %dma_start3A_137] : memref<16x128x16xf32, #tpu.memory_space<vmem>> -> memref<1x128x16xf32, #tpu.memory_space<vmem>>
    %dma_start3A_139 = tpu.memref_squeeze %dma_start3A_138 : memref<1x128x16xf32, #tpu.memory_space<vmem>> -> memref<128x16xf32, #tpu.memory_space<vmem>>
    %dma_start3A_140 = arith.constant 0 : i32
    %dma_start3A_141 = tpu.memref_slice %arg5[%dma_start3A_134, %dma_start3A_140] : memref<16x128xi32, #tpu.memory_space<vmem>> -> memref<1x128xi32, #tpu.memory_space<vmem>>
    %dma_start3A_142 = tpu.memref_squeeze %dma_start3A_141 : memref<1x128xi32, #tpu.memory_space<vmem>> -> memref<128xi32, #tpu.memory_space<vmem>>
    %dma_start3A_143 = arith.constant 0 : i32
    %dma_start3A_144 = arith.constant 0 : i32
    %dma_start3A_145 = tpu.memref_slice %arg3[%dma_start3A_143, %dma_start3A_144] : memref<16384x16xf32, #tpu.memory_space<hbm>> -> memref<16384x16xf32, #tpu.memory_space<hbm>>
    tpu.enqueue_indirect_dma source(%dma_start3A_145 : memref<16384x16xf32, #tpu.memory_space<hbm>>) target(%dma_start3A_139 : memref<128x16xf32, #tpu.memory_space<vmem>>) offsets(%dma_start3A_142 : memref<128xi32, #tpu.memory_space<vmem>>) semaphore(%arg7 : memref<!tpu.dma_semaphore, #tpu.memory_space<semaphore_mem>>)
    %dma_start3A_146 = arith.constant 12 : i32
    %dma_start3A_147 = arith.constant 12 : i32
    %dma_start3A_148 = arith.constant 0 : i32
    %dma_start3A_149 = arith.constant 0 : i32
    %dma_start3A_150 = tpu.memref_slice %arg6[%dma_start3A_147, %dma_start3A_148, %dma_start3A_149] : memref<16x128x16xf32, #tpu.memory_space<vmem>> -> memref<1x128x16xf32, #tpu.memory_space<vmem>>
    %dma_start3A_151 = tpu.memref_squeeze %dma_start3A_150 : memref<1x128x16xf32, #tpu.memory_space<vmem>> -> memref<128x16xf32, #tpu.memory_space<vmem>>
    %dma_start3A_152 = arith.constant 0 : i32
    %dma_start3A_153 = tpu.memref_slice %arg5[%dma_start3A_146, %dma_start3A_152] : memref<16x128xi32, #tpu.memory_space<vmem>> -> memref<1x128xi32, #tpu.memory_space<vmem>>
    %dma_start3A_154 = tpu.memref_squeeze %dma_start3A_153 : memref<1x128xi32, #tpu.memory_space<vmem>> -> memref<128xi32, #tpu.memory_space<vmem>>
    %dma_start3A_155 = arith.constant 0 : i32
    %dma_start3A_156 = arith.constant 0 : i32
    %dma_start3A_157 = tpu.memref_slice %arg3[%dma_start3A_155, %dma_start3A_156] : memref<16384x16xf32, #tpu.memory_space<hbm>> -> memref<16384x16xf32, #tpu.memory_space<hbm>>
    tpu.enqueue_indirect_dma source(%dma_start3A_157 : memref<16384x16xf32, #tpu.memory_space<hbm>>) target(%dma_start3A_151 : memref<128x16xf32, #tpu.memory_space<vmem>>) offsets(%dma_start3A_154 : memref<128xi32, #tpu.memory_space<vmem>>) semaphore(%arg7 : memref<!tpu.dma_semaphore, #tpu.memory_space<semaphore_mem>>)
    %dma_start3A_158 = arith.constant 13 : i32
    %dma_start3A_159 = arith.constant 13 : i32
    %dma_start3A_160 = arith.constant 0 : i32
    %dma_start3A_161 = arith.constant 0 : i32
    %dma_start3A_162 = tpu.memref_slice %arg6[%dma_start3A_159, %dma_start3A_160, %dma_start3A_161] : memref<16x128x16xf32, #tpu.memory_space<vmem>> -> memref<1x128x16xf32, #tpu.memory_space<vmem>>
    %dma_start3A_163 = tpu.memref_squeeze %dma_start3A_162 : memref<1x128x16xf32, #tpu.memory_space<vmem>> -> memref<128x16xf32, #tpu.memory_space<vmem>>
    %dma_start3A_164 = arith.constant 0 : i32
    %dma_start3A_165 = tpu.memref_slice %arg5[%dma_start3A_158, %dma_start3A_164] : memref<16x128xi32, #tpu.memory_space<vmem>> -> memref<1x128xi32, #tpu.memory_space<vmem>>
    %dma_start3A_166 = tpu.memref_squeeze %dma_start3A_165 : memref<1x128xi32, #tpu.memory_space<vmem>> -> memref<128xi32, #tpu.memory_space<vmem>>
    %dma_start3A_167 = arith.constant 0 : i32
    %dma_start3A_168 = arith.constant 0 : i32
    %dma_start3A_169 = tpu.memref_slice %arg3[%dma_start3A_167, %dma_start3A_168] : memref<16384x16xf32, #tpu.memory_space<hbm>> -> memref<16384x16xf32, #tpu.memory_space<hbm>>
    tpu.enqueue_indirect_dma source(%dma_start3A_169 : memref<16384x16xf32, #tpu.memory_space<hbm>>) target(%dma_start3A_163 : memref<128x16xf32, #tpu.memory_space<vmem>>) offsets(%dma_start3A_166 : memref<128xi32, #tpu.memory_space<vmem>>) semaphore(%arg7 : memref<!tpu.dma_semaphore, #tpu.memory_space<semaphore_mem>>)
    %dma_start3A_170 = arith.constant 14 : i32
    %dma_start3A_171 = arith.constant 14 : i32
    %dma_start3A_172 = arith.constant 0 : i32
    %dma_start3A_173 = arith.constant 0 : i32
    %dma_start3A_174 = tpu.memref_slice %arg6[%dma_start3A_171, %dma_start3A_172, %dma_start3A_173] : memref<16x128x16xf32, #tpu.memory_space<vmem>> -> memref<1x128x16xf32, #tpu.memory_space<vmem>>
    %dma_start3A_175 = tpu.memref_squeeze %dma_start3A_174 : memref<1x128x16xf32, #tpu.memory_space<vmem>> -> memref<128x16xf32, #tpu.memory_space<vmem>>
    %dma_start3A_176 = arith.constant 0 : i32
    %dma_start3A_177 = tpu.memref_slice %arg5[%dma_start3A_170, %dma_start3A_176] : memref<16x128xi32, #tpu.memory_space<vmem>> -> memref<1x128xi32, #tpu.memory_space<vmem>>
    %dma_start3A_178 = tpu.memref_squeeze %dma_start3A_177 : memref<1x128xi32, #tpu.memory_space<vmem>> -> memref<128xi32, #tpu.memory_space<vmem>>
    %dma_start3A_179 = arith.constant 0 : i32
    %dma_start3A_180 = arith.constant 0 : i32
    %dma_start3A_181 = tpu.memref_slice %arg3[%dma_start3A_179, %dma_start3A_180] : memref<16384x16xf32, #tpu.memory_space<hbm>> -> memref<16384x16xf32, #tpu.memory_space<hbm>>
    tpu.enqueue_indirect_dma source(%dma_start3A_181 : memref<16384x16xf32, #tpu.memory_space<hbm>>) target(%dma_start3A_175 : memref<128x16xf32, #tpu.memory_space<vmem>>) offsets(%dma_start3A_178 : memref<128xi32, #tpu.memory_space<vmem>>) semaphore(%arg7 : memref<!tpu.dma_semaphore, #tpu.memory_space<semaphore_mem>>)
    %dma_start3A_182 = arith.constant 15 : i32
    %dma_start3A_183 = arith.constant 15 : i32
    %dma_start3A_184 = arith.constant 0 : i32
    %dma_start3A_185 = arith.constant 0 : i32
    %dma_start3A_186 = tpu.memref_slice %arg6[%dma_start3A_183, %dma_start3A_184, %dma_start3A_185] : memref<16x128x16xf32, #tpu.memory_space<vmem>> -> memref<1x128x16xf32, #tpu.memory_space<vmem>>
    %dma_start3A_187 = tpu.memref_squeeze %dma_start3A_186 : memref<1x128x16xf32, #tpu.memory_space<vmem>> -> memref<128x16xf32, #tpu.memory_space<vmem>>
    %dma_start3A_188 = arith.constant 0 : i32
    %dma_start3A_189 = tpu.memref_slice %arg5[%dma_start3A_182, %dma_start3A_188] : memref<16x128xi32, #tpu.memory_space<vmem>> -> memref<1x128xi32, #tpu.memory_space<vmem>>
    %dma_start3A_190 = tpu.memref_squeeze %dma_start3A_189 : memref<1x128xi32, #tpu.memory_space<vmem>> -> memref<128xi32, #tpu.memory_space<vmem>>
    %dma_start3A_191 = arith.constant 0 : i32
    %dma_start3A_192 = arith.constant 0 : i32
    %dma_start3A_193 = tpu.memref_slice %arg3[%dma_start3A_191, %dma_start3A_192] : memref<16384x16xf32, #tpu.memory_space<hbm>> -> memref<16384x16xf32, #tpu.memory_space<hbm>>
    tpu.enqueue_indirect_dma source(%dma_start3A_193 : memref<16384x16xf32, #tpu.memory_space<hbm>>) target(%dma_start3A_187 : memref<128x16xf32, #tpu.memory_space<vmem>>) offsets(%dma_start3A_190 : memref<128xi32, #tpu.memory_space<vmem>>) semaphore(%arg7 : memref<!tpu.dma_semaphore, #tpu.memory_space<semaphore_mem>>)
    %dma_wait3A = arith.constant 0 : i32
    %dma_wait3A_194 = arith.constant 0 : i32
    %dma_wait3A_195 = arith.constant 0 : i32
    %dma_wait3A_196 = arith.constant 0 : i32
    %dma_wait3A_197 = tpu.memref_slice %arg6[%dma_wait3A_194, %dma_wait3A_195, %dma_wait3A_196] : memref<16x128x16xf32, #tpu.memory_space<vmem>> -> memref<1x128x16xf32, #tpu.memory_space<vmem>>
    %dma_wait3A_198 = tpu.memref_squeeze %dma_wait3A_197 : memref<1x128x16xf32, #tpu.memory_space<vmem>> -> memref<128x16xf32, #tpu.memory_space<vmem>>
    %dma_wait3A_199 = arith.constant 0 : i32
    %dma_wait3A_200 = tpu.memref_slice %arg5[%dma_wait3A, %dma_wait3A_199] : memref<16x128xi32, #tpu.memory_space<vmem>> -> memref<1x128xi32, #tpu.memory_space<vmem>>
    %dma_wait3A_201 = tpu.memref_squeeze %dma_wait3A_200 : memref<1x128xi32, #tpu.memory_space<vmem>> -> memref<128xi32, #tpu.memory_space<vmem>>
    %dma_wait3A_202 = arith.constant 0 : i32
    %dma_wait3A_203 = arith.constant 0 : i32
    %dma_wait3A_204 = tpu.memref_slice %arg3[%dma_wait3A_202, %dma_wait3A_203] : memref<16384x16xf32, #tpu.memory_space<hbm>> -> memref<16384x16xf32, #tpu.memory_space<hbm>>
    tpu.wait_indirect_dma semaphore(%arg7 : memref<!tpu.dma_semaphore, #tpu.memory_space<semaphore_mem>>) src(%dma_wait3A_204 : memref<16384x16xf32, #tpu.memory_space<hbm>>) dst(%dma_wait3A_198 : memref<128x16xf32, #tpu.memory_space<vmem>>)
    %dma_wait3A_205 = arith.constant 1 : i32
    %dma_wait3A_206 = arith.constant 1 : i32
    %dma_wait3A_207 = arith.constant 0 : i32
    %dma_wait3A_208 = arith.constant 0 : i32
    %dma_wait3A_209 = tpu.memref_slice %arg6[%dma_wait3A_206, %dma_wait3A_207, %dma_wait3A_208] : memref<16x128x16xf32, #tpu.memory_space<vmem>> -> memref<1x128x16xf32, #tpu.memory_space<vmem>>
    %dma_wait3A_210 = tpu.memref_squeeze %dma_wait3A_209 : memref<1x128x16xf32, #tpu.memory_space<vmem>> -> memref<128x16xf32, #tpu.memory_space<vmem>>
    %dma_wait3A_211 = arith.constant 0 : i32
    %dma_wait3A_212 = tpu.memref_slice %arg5[%dma_wait3A_205, %dma_wait3A_211] : memref<16x128xi32, #tpu.memory_space<vmem>> -> memref<1x128xi32, #tpu.memory_space<vmem>>
    %dma_wait3A_213 = tpu.memref_squeeze %dma_wait3A_212 : memref<1x128xi32, #tpu.memory_space<vmem>> -> memref<128xi32, #tpu.memory_space<vmem>>
    %dma_wait3A_214 = arith.constant 0 : i32
    %dma_wait3A_215 = arith.constant 0 : i32
    %dma_wait3A_216 = tpu.memref_slice %arg3[%dma_wait3A_214, %dma_wait3A_215] : memref<16384x16xf32, #tpu.memory_space<hbm>> -> memref<16384x16xf32, #tpu.memory_space<hbm>>
    tpu.wait_indirect_dma semaphore(%arg7 : memref<!tpu.dma_semaphore, #tpu.memory_space<semaphore_mem>>) src(%dma_wait3A_216 : memref<16384x16xf32, #tpu.memory_space<hbm>>) dst(%dma_wait3A_210 : memref<128x16xf32, #tpu.memory_space<vmem>>)
    %dma_wait3A_217 = arith.constant 2 : i32
    %dma_wait3A_218 = arith.constant 2 : i32
    %dma_wait3A_219 = arith.constant 0 : i32
    %dma_wait3A_220 = arith.constant 0 : i32
    %dma_wait3A_221 = tpu.memref_slice %arg6[%dma_wait3A_218, %dma_wait3A_219, %dma_wait3A_220] : memref<16x128x16xf32, #tpu.memory_space<vmem>> -> memref<1x128x16xf32, #tpu.memory_space<vmem>>
    %dma_wait3A_222 = tpu.memref_squeeze %dma_wait3A_221 : memref<1x128x16xf32, #tpu.memory_space<vmem>> -> memref<128x16xf32, #tpu.memory_space<vmem>>
    %dma_wait3A_223 = arith.constant 0 : i32
    %dma_wait3A_224 = tpu.memref_slice %arg5[%dma_wait3A_217, %dma_wait3A_223] : memref<16x128xi32, #tpu.memory_space<vmem>> -> memref<1x128xi32, #tpu.memory_space<vmem>>
    %dma_wait3A_225 = tpu.memref_squeeze %dma_wait3A_224 : memref<1x128xi32, #tpu.memory_space<vmem>> -> memref<128xi32, #tpu.memory_space<vmem>>
    %dma_wait3A_226 = arith.constant 0 : i32
    %dma_wait3A_227 = arith.constant 0 : i32
    %dma_wait3A_228 = tpu.memref_slice %arg3[%dma_wait3A_226, %dma_wait3A_227] : memref<16384x16xf32, #tpu.memory_space<hbm>> -> memref<16384x16xf32, #tpu.memory_space<hbm>>
    tpu.wait_indirect_dma semaphore(%arg7 : memref<!tpu.dma_semaphore, #tpu.memory_space<semaphore_mem>>) src(%dma_wait3A_228 : memref<16384x16xf32, #tpu.memory_space<hbm>>) dst(%dma_wait3A_222 : memref<128x16xf32, #tpu.memory_space<vmem>>)
    %dma_wait3A_229 = arith.constant 3 : i32
    %dma_wait3A_230 = arith.constant 3 : i32
    %dma_wait3A_231 = arith.constant 0 : i32
    %dma_wait3A_232 = arith.constant 0 : i32
    %dma_wait3A_233 = tpu.memref_slice %arg6[%dma_wait3A_230, %dma_wait3A_231, %dma_wait3A_232] : memref<16x128x16xf32, #tpu.memory_space<vmem>> -> memref<1x128x16xf32, #tpu.memory_space<vmem>>
    %dma_wait3A_234 = tpu.memref_squeeze %dma_wait3A_233 : memref<1x128x16xf32, #tpu.memory_space<vmem>> -> memref<128x16xf32, #tpu.memory_space<vmem>>
    %dma_wait3A_235 = arith.constant 0 : i32
    %dma_wait3A_236 = tpu.memref_slice %arg5[%dma_wait3A_229, %dma_wait3A_235] : memref<16x128xi32, #tpu.memory_space<vmem>> -> memref<1x128xi32, #tpu.memory_space<vmem>>
    %dma_wait3A_237 = tpu.memref_squeeze %dma_wait3A_236 : memref<1x128xi32, #tpu.memory_space<vmem>> -> memref<128xi32, #tpu.memory_space<vmem>>
    %dma_wait3A_238 = arith.constant 0 : i32
    %dma_wait3A_239 = arith.constant 0 : i32
    %dma_wait3A_240 = tpu.memref_slice %arg3[%dma_wait3A_238, %dma_wait3A_239] : memref<16384x16xf32, #tpu.memory_space<hbm>> -> memref<16384x16xf32, #tpu.memory_space<hbm>>
    tpu.wait_indirect_dma semaphore(%arg7 : memref<!tpu.dma_semaphore, #tpu.memory_space<semaphore_mem>>) src(%dma_wait3A_240 : memref<16384x16xf32, #tpu.memory_space<hbm>>) dst(%dma_wait3A_234 : memref<128x16xf32, #tpu.memory_space<vmem>>)
    %dma_wait3A_241 = arith.constant 4 : i32
    %dma_wait3A_242 = arith.constant 4 : i32
    %dma_wait3A_243 = arith.constant 0 : i32
    %dma_wait3A_244 = arith.constant 0 : i32
    %dma_wait3A_245 = tpu.memref_slice %arg6[%dma_wait3A_242, %dma_wait3A_243, %dma_wait3A_244] : memref<16x128x16xf32, #tpu.memory_space<vmem>> -> memref<1x128x16xf32, #tpu.memory_space<vmem>>
    %dma_wait3A_246 = tpu.memref_squeeze %dma_wait3A_245 : memref<1x128x16xf32, #tpu.memory_space<vmem>> -> memref<128x16xf32, #tpu.memory_space<vmem>>
    %dma_wait3A_247 = arith.constant 0 : i32
    %dma_wait3A_248 = tpu.memref_slice %arg5[%dma_wait3A_241, %dma_wait3A_247] : memref<16x128xi32, #tpu.memory_space<vmem>> -> memref<1x128xi32, #tpu.memory_space<vmem>>
    %dma_wait3A_249 = tpu.memref_squeeze %dma_wait3A_248 : memref<1x128xi32, #tpu.memory_space<vmem>> -> memref<128xi32, #tpu.memory_space<vmem>>
    %dma_wait3A_250 = arith.constant 0 : i32
    %dma_wait3A_251 = arith.constant 0 : i32
    %dma_wait3A_252 = tpu.memref_slice %arg3[%dma_wait3A_250, %dma_wait3A_251] : memref<16384x16xf32, #tpu.memory_space<hbm>> -> memref<16384x16xf32, #tpu.memory_space<hbm>>
    tpu.wait_indirect_dma semaphore(%arg7 : memref<!tpu.dma_semaphore, #tpu.memory_space<semaphore_mem>>) src(%dma_wait3A_252 : memref<16384x16xf32, #tpu.memory_space<hbm>>) dst(%dma_wait3A_246 : memref<128x16xf32, #tpu.memory_space<vmem>>)
    %dma_wait3A_253 = arith.constant 5 : i32
    %dma_wait3A_254 = arith.constant 5 : i32
    %dma_wait3A_255 = arith.constant 0 : i32
    %dma_wait3A_256 = arith.constant 0 : i32
    %dma_wait3A_257 = tpu.memref_slice %arg6[%dma_wait3A_254, %dma_wait3A_255, %dma_wait3A_256] : memref<16x128x16xf32, #tpu.memory_space<vmem>> -> memref<1x128x16xf32, #tpu.memory_space<vmem>>
    %dma_wait3A_258 = tpu.memref_squeeze %dma_wait3A_257 : memref<1x128x16xf32, #tpu.memory_space<vmem>> -> memref<128x16xf32, #tpu.memory_space<vmem>>
    %dma_wait3A_259 = arith.constant 0 : i32
    %dma_wait3A_260 = tpu.memref_slice %arg5[%dma_wait3A_253, %dma_wait3A_259] : memref<16x128xi32, #tpu.memory_space<vmem>> -> memref<1x128xi32, #tpu.memory_space<vmem>>
    %dma_wait3A_261 = tpu.memref_squeeze %dma_wait3A_260 : memref<1x128xi32, #tpu.memory_space<vmem>> -> memref<128xi32, #tpu.memory_space<vmem>>
    %dma_wait3A_262 = arith.constant 0 : i32
    %dma_wait3A_263 = arith.constant 0 : i32
    %dma_wait3A_264 = tpu.memref_slice %arg3[%dma_wait3A_262, %dma_wait3A_263] : memref<16384x16xf32, #tpu.memory_space<hbm>> -> memref<16384x16xf32, #tpu.memory_space<hbm>>
    tpu.wait_indirect_dma semaphore(%arg7 : memref<!tpu.dma_semaphore, #tpu.memory_space<semaphore_mem>>) src(%dma_wait3A_264 : memref<16384x16xf32, #tpu.memory_space<hbm>>) dst(%dma_wait3A_258 : memref<128x16xf32, #tpu.memory_space<vmem>>)
    %dma_wait3A_265 = arith.constant 6 : i32
    %dma_wait3A_266 = arith.constant 6 : i32
    %dma_wait3A_267 = arith.constant 0 : i32
    %dma_wait3A_268 = arith.constant 0 : i32
    %dma_wait3A_269 = tpu.memref_slice %arg6[%dma_wait3A_266, %dma_wait3A_267, %dma_wait3A_268] : memref<16x128x16xf32, #tpu.memory_space<vmem>> -> memref<1x128x16xf32, #tpu.memory_space<vmem>>
    %dma_wait3A_270 = tpu.memref_squeeze %dma_wait3A_269 : memref<1x128x16xf32, #tpu.memory_space<vmem>> -> memref<128x16xf32, #tpu.memory_space<vmem>>
    %dma_wait3A_271 = arith.constant 0 : i32
    %dma_wait3A_272 = tpu.memref_slice %arg5[%dma_wait3A_265, %dma_wait3A_271] : memref<16x128xi32, #tpu.memory_space<vmem>> -> memref<1x128xi32, #tpu.memory_space<vmem>>
    %dma_wait3A_273 = tpu.memref_squeeze %dma_wait3A_272 : memref<1x128xi32, #tpu.memory_space<vmem>> -> memref<128xi32, #tpu.memory_space<vmem>>
    %dma_wait3A_274 = arith.constant 0 : i32
    %dma_wait3A_275 = arith.constant 0 : i32
    %dma_wait3A_276 = tpu.memref_slice %arg3[%dma_wait3A_274, %dma_wait3A_275] : memref<16384x16xf32, #tpu.memory_space<hbm>> -> memref<16384x16xf32, #tpu.memory_space<hbm>>
    tpu.wait_indirect_dma semaphore(%arg7 : memref<!tpu.dma_semaphore, #tpu.memory_space<semaphore_mem>>) src(%dma_wait3A_276 : memref<16384x16xf32, #tpu.memory_space<hbm>>) dst(%dma_wait3A_270 : memref<128x16xf32, #tpu.memory_space<vmem>>)
    %dma_wait3A_277 = arith.constant 7 : i32
    %dma_wait3A_278 = arith.constant 7 : i32
    %dma_wait3A_279 = arith.constant 0 : i32
    %dma_wait3A_280 = arith.constant 0 : i32
    %dma_wait3A_281 = tpu.memref_slice %arg6[%dma_wait3A_278, %dma_wait3A_279, %dma_wait3A_280] : memref<16x128x16xf32, #tpu.memory_space<vmem>> -> memref<1x128x16xf32, #tpu.memory_space<vmem>>
    %dma_wait3A_282 = tpu.memref_squeeze %dma_wait3A_281 : memref<1x128x16xf32, #tpu.memory_space<vmem>> -> memref<128x16xf32, #tpu.memory_space<vmem>>
    %dma_wait3A_283 = arith.constant 0 : i32
    %dma_wait3A_284 = tpu.memref_slice %arg5[%dma_wait3A_277, %dma_wait3A_283] : memref<16x128xi32, #tpu.memory_space<vmem>> -> memref<1x128xi32, #tpu.memory_space<vmem>>
    %dma_wait3A_285 = tpu.memref_squeeze %dma_wait3A_284 : memref<1x128xi32, #tpu.memory_space<vmem>> -> memref<128xi32, #tpu.memory_space<vmem>>
    %dma_wait3A_286 = arith.constant 0 : i32
    %dma_wait3A_287 = arith.constant 0 : i32
    %dma_wait3A_288 = tpu.memref_slice %arg3[%dma_wait3A_286, %dma_wait3A_287] : memref<16384x16xf32, #tpu.memory_space<hbm>> -> memref<16384x16xf32, #tpu.memory_space<hbm>>
    tpu.wait_indirect_dma semaphore(%arg7 : memref<!tpu.dma_semaphore, #tpu.memory_space<semaphore_mem>>) src(%dma_wait3A_288 : memref<16384x16xf32, #tpu.memory_space<hbm>>) dst(%dma_wait3A_282 : memref<128x16xf32, #tpu.memory_space<vmem>>)
    %dma_wait3A_289 = arith.constant 8 : i32
    %dma_wait3A_290 = arith.constant 8 : i32
    %dma_wait3A_291 = arith.constant 0 : i32
    %dma_wait3A_292 = arith.constant 0 : i32
    %dma_wait3A_293 = tpu.memref_slice %arg6[%dma_wait3A_290, %dma_wait3A_291, %dma_wait3A_292] : memref<16x128x16xf32, #tpu.memory_space<vmem>> -> memref<1x128x16xf32, #tpu.memory_space<vmem>>
    %dma_wait3A_294 = tpu.memref_squeeze %dma_wait3A_293 : memref<1x128x16xf32, #tpu.memory_space<vmem>> -> memref<128x16xf32, #tpu.memory_space<vmem>>
    %dma_wait3A_295 = arith.constant 0 : i32
    %dma_wait3A_296 = tpu.memref_slice %arg5[%dma_wait3A_289, %dma_wait3A_295] : memref<16x128xi32, #tpu.memory_space<vmem>> -> memref<1x128xi32, #tpu.memory_space<vmem>>
    %dma_wait3A_297 = tpu.memref_squeeze %dma_wait3A_296 : memref<1x128xi32, #tpu.memory_space<vmem>> -> memref<128xi32, #tpu.memory_space<vmem>>
    %dma_wait3A_298 = arith.constant 0 : i32
    %dma_wait3A_299 = arith.constant 0 : i32
    %dma_wait3A_300 = tpu.memref_slice %arg3[%dma_wait3A_298, %dma_wait3A_299] : memref<16384x16xf32, #tpu.memory_space<hbm>> -> memref<16384x16xf32, #tpu.memory_space<hbm>>
    tpu.wait_indirect_dma semaphore(%arg7 : memref<!tpu.dma_semaphore, #tpu.memory_space<semaphore_mem>>) src(%dma_wait3A_300 : memref<16384x16xf32, #tpu.memory_space<hbm>>) dst(%dma_wait3A_294 : memref<128x16xf32, #tpu.memory_space<vmem>>)
    %dma_wait3A_301 = arith.constant 9 : i32
    %dma_wait3A_302 = arith.constant 9 : i32
    %dma_wait3A_303 = arith.constant 0 : i32
    %dma_wait3A_304 = arith.constant 0 : i32
    %dma_wait3A_305 = tpu.memref_slice %arg6[%dma_wait3A_302, %dma_wait3A_303, %dma_wait3A_304] : memref<16x128x16xf32, #tpu.memory_space<vmem>> -> memref<1x128x16xf32, #tpu.memory_space<vmem>>
    %dma_wait3A_306 = tpu.memref_squeeze %dma_wait3A_305 : memref<1x128x16xf32, #tpu.memory_space<vmem>> -> memref<128x16xf32, #tpu.memory_space<vmem>>
    %dma_wait3A_307 = arith.constant 0 : i32
    %dma_wait3A_308 = tpu.memref_slice %arg5[%dma_wait3A_301, %dma_wait3A_307] : memref<16x128xi32, #tpu.memory_space<vmem>> -> memref<1x128xi32, #tpu.memory_space<vmem>>
    %dma_wait3A_309 = tpu.memref_squeeze %dma_wait3A_308 : memref<1x128xi32, #tpu.memory_space<vmem>> -> memref<128xi32, #tpu.memory_space<vmem>>
    %dma_wait3A_310 = arith.constant 0 : i32
    %dma_wait3A_311 = arith.constant 0 : i32
    %dma_wait3A_312 = tpu.memref_slice %arg3[%dma_wait3A_310, %dma_wait3A_311] : memref<16384x16xf32, #tpu.memory_space<hbm>> -> memref<16384x16xf32, #tpu.memory_space<hbm>>
    tpu.wait_indirect_dma semaphore(%arg7 : memref<!tpu.dma_semaphore, #tpu.memory_space<semaphore_mem>>) src(%dma_wait3A_312 : memref<16384x16xf32, #tpu.memory_space<hbm>>) dst(%dma_wait3A_306 : memref<128x16xf32, #tpu.memory_space<vmem>>)
    %dma_wait3A_313 = arith.constant 10 : i32
    %dma_wait3A_314 = arith.constant 10 : i32
    %dma_wait3A_315 = arith.constant 0 : i32
    %dma_wait3A_316 = arith.constant 0 : i32
    %dma_wait3A_317 = tpu.memref_slice %arg6[%dma_wait3A_314, %dma_wait3A_315, %dma_wait3A_316] : memref<16x128x16xf32, #tpu.memory_space<vmem>> -> memref<1x128x16xf32, #tpu.memory_space<vmem>>
    %dma_wait3A_318 = tpu.memref_squeeze %dma_wait3A_317 : memref<1x128x16xf32, #tpu.memory_space<vmem>> -> memref<128x16xf32, #tpu.memory_space<vmem>>
    %dma_wait3A_319 = arith.constant 0 : i32
    %dma_wait3A_320 = tpu.memref_slice %arg5[%dma_wait3A_313, %dma_wait3A_319] : memref<16x128xi32, #tpu.memory_space<vmem>> -> memref<1x128xi32, #tpu.memory_space<vmem>>
    %dma_wait3A_321 = tpu.memref_squeeze %dma_wait3A_320 : memref<1x128xi32, #tpu.memory_space<vmem>> -> memref<128xi32, #tpu.memory_space<vmem>>
    %dma_wait3A_322 = arith.constant 0 : i32
    %dma_wait3A_323 = arith.constant 0 : i32
    %dma_wait3A_324 = tpu.memref_slice %arg3[%dma_wait3A_322, %dma_wait3A_323] : memref<16384x16xf32, #tpu.memory_space<hbm>> -> memref<16384x16xf32, #tpu.memory_space<hbm>>
    tpu.wait_indirect_dma semaphore(%arg7 : memref<!tpu.dma_semaphore, #tpu.memory_space<semaphore_mem>>) src(%dma_wait3A_324 : memref<16384x16xf32, #tpu.memory_space<hbm>>) dst(%dma_wait3A_318 : memref<128x16xf32, #tpu.memory_space<vmem>>)
    %dma_wait3A_325 = arith.constant 11 : i32
    %dma_wait3A_326 = arith.constant 11 : i32
    %dma_wait3A_327 = arith.constant 0 : i32
    %dma_wait3A_328 = arith.constant 0 : i32
    %dma_wait3A_329 = tpu.memref_slice %arg6[%dma_wait3A_326, %dma_wait3A_327, %dma_wait3A_328] : memref<16x128x16xf32, #tpu.memory_space<vmem>> -> memref<1x128x16xf32, #tpu.memory_space<vmem>>
    %dma_wait3A_330 = tpu.memref_squeeze %dma_wait3A_329 : memref<1x128x16xf32, #tpu.memory_space<vmem>> -> memref<128x16xf32, #tpu.memory_space<vmem>>
    %dma_wait3A_331 = arith.constant 0 : i32
    %dma_wait3A_332 = tpu.memref_slice %arg5[%dma_wait3A_325, %dma_wait3A_331] : memref<16x128xi32, #tpu.memory_space<vmem>> -> memref<1x128xi32, #tpu.memory_space<vmem>>
    %dma_wait3A_333 = tpu.memref_squeeze %dma_wait3A_332 : memref<1x128xi32, #tpu.memory_space<vmem>> -> memref<128xi32, #tpu.memory_space<vmem>>
    %dma_wait3A_334 = arith.constant 0 : i32
    %dma_wait3A_335 = arith.constant 0 : i32
    %dma_wait3A_336 = tpu.memref_slice %arg3[%dma_wait3A_334, %dma_wait3A_335] : memref<16384x16xf32, #tpu.memory_space<hbm>> -> memref<16384x16xf32, #tpu.memory_space<hbm>>
    tpu.wait_indirect_dma semaphore(%arg7 : memref<!tpu.dma_semaphore, #tpu.memory_space<semaphore_mem>>) src(%dma_wait3A_336 : memref<16384x16xf32, #tpu.memory_space<hbm>>) dst(%dma_wait3A_330 : memref<128x16xf32, #tpu.memory_space<vmem>>)
    %dma_wait3A_337 = arith.constant 12 : i32
    %dma_wait3A_338 = arith.constant 12 : i32
    %dma_wait3A_339 = arith.constant 0 : i32
    %dma_wait3A_340 = arith.constant 0 : i32
    %dma_wait3A_341 = tpu.memref_slice %arg6[%dma_wait3A_338, %dma_wait3A_339, %dma_wait3A_340] : memref<16x128x16xf32, #tpu.memory_space<vmem>> -> memref<1x128x16xf32, #tpu.memory_space<vmem>>
    %dma_wait3A_342 = tpu.memref_squeeze %dma_wait3A_341 : memref<1x128x16xf32, #tpu.memory_space<vmem>> -> memref<128x16xf32, #tpu.memory_space<vmem>>
    %dma_wait3A_343 = arith.constant 0 : i32
    %dma_wait3A_344 = tpu.memref_slice %arg5[%dma_wait3A_337, %dma_wait3A_343] : memref<16x128xi32, #tpu.memory_space<vmem>> -> memref<1x128xi32, #tpu.memory_space<vmem>>
    %dma_wait3A_345 = tpu.memref_squeeze %dma_wait3A_344 : memref<1x128xi32, #tpu.memory_space<vmem>> -> memref<128xi32, #tpu.memory_space<vmem>>
    %dma_wait3A_346 = arith.constant 0 : i32
    %dma_wait3A_347 = arith.constant 0 : i32
    %dma_wait3A_348 = tpu.memref_slice %arg3[%dma_wait3A_346, %dma_wait3A_347] : memref<16384x16xf32, #tpu.memory_space<hbm>> -> memref<16384x16xf32, #tpu.memory_space<hbm>>
    tpu.wait_indirect_dma semaphore(%arg7 : memref<!tpu.dma_semaphore, #tpu.memory_space<semaphore_mem>>) src(%dma_wait3A_348 : memref<16384x16xf32, #tpu.memory_space<hbm>>) dst(%dma_wait3A_342 : memref<128x16xf32, #tpu.memory_space<vmem>>)
    %dma_wait3A_349 = arith.constant 13 : i32
    %dma_wait3A_350 = arith.constant 13 : i32
    %dma_wait3A_351 = arith.constant 0 : i32
    %dma_wait3A_352 = arith.constant 0 : i32
    %dma_wait3A_353 = tpu.memref_slice %arg6[%dma_wait3A_350, %dma_wait3A_351, %dma_wait3A_352] : memref<16x128x16xf32, #tpu.memory_space<vmem>> -> memref<1x128x16xf32, #tpu.memory_space<vmem>>
    %dma_wait3A_354 = tpu.memref_squeeze %dma_wait3A_353 : memref<1x128x16xf32, #tpu.memory_space<vmem>> -> memref<128x16xf32, #tpu.memory_space<vmem>>
    %dma_wait3A_355 = arith.constant 0 : i32
    %dma_wait3A_356 = tpu.memref_slice %arg5[%dma_wait3A_349, %dma_wait3A_355] : memref<16x128xi32, #tpu.memory_space<vmem>> -> memref<1x128xi32, #tpu.memory_space<vmem>>
    %dma_wait3A_357 = tpu.memref_squeeze %dma_wait3A_356 : memref<1x128xi32, #tpu.memory_space<vmem>> -> memref<128xi32, #tpu.memory_space<vmem>>
    %dma_wait3A_358 = arith.constant 0 : i32
    %dma_wait3A_359 = arith.constant 0 : i32
    %dma_wait3A_360 = tpu.memref_slice %arg3[%dma_wait3A_358, %dma_wait3A_359] : memref<16384x16xf32, #tpu.memory_space<hbm>> -> memref<16384x16xf32, #tpu.memory_space<hbm>>
    tpu.wait_indirect_dma semaphore(%arg7 : memref<!tpu.dma_semaphore, #tpu.memory_space<semaphore_mem>>) src(%dma_wait3A_360 : memref<16384x16xf32, #tpu.memory_space<hbm>>) dst(%dma_wait3A_354 : memref<128x16xf32, #tpu.memory_space<vmem>>)
    %dma_wait3A_361 = arith.constant 14 : i32
    %dma_wait3A_362 = arith.constant 14 : i32
    %dma_wait3A_363 = arith.constant 0 : i32
    %dma_wait3A_364 = arith.constant 0 : i32
    %dma_wait3A_365 = tpu.memref_slice %arg6[%dma_wait3A_362, %dma_wait3A_363, %dma_wait3A_364] : memref<16x128x16xf32, #tpu.memory_space<vmem>> -> memref<1x128x16xf32, #tpu.memory_space<vmem>>
    %dma_wait3A_366 = tpu.memref_squeeze %dma_wait3A_365 : memref<1x128x16xf32, #tpu.memory_space<vmem>> -> memref<128x16xf32, #tpu.memory_space<vmem>>
    %dma_wait3A_367 = arith.constant 0 : i32
    %dma_wait3A_368 = tpu.memref_slice %arg5[%dma_wait3A_361, %dma_wait3A_367] : memref<16x128xi32, #tpu.memory_space<vmem>> -> memref<1x128xi32, #tpu.memory_space<vmem>>
    %dma_wait3A_369 = tpu.memref_squeeze %dma_wait3A_368 : memref<1x128xi32, #tpu.memory_space<vmem>> -> memref<128xi32, #tpu.memory_space<vmem>>
    %dma_wait3A_370 = arith.constant 0 : i32
    %dma_wait3A_371 = arith.constant 0 : i32
    %dma_wait3A_372 = tpu.memref_slice %arg3[%dma_wait3A_370, %dma_wait3A_371] : memref<16384x16xf32, #tpu.memory_space<hbm>> -> memref<16384x16xf32, #tpu.memory_space<hbm>>
    tpu.wait_indirect_dma semaphore(%arg7 : memref<!tpu.dma_semaphore, #tpu.memory_space<semaphore_mem>>) src(%dma_wait3A_372 : memref<16384x16xf32, #tpu.memory_space<hbm>>) dst(%dma_wait3A_366 : memref<128x16xf32, #tpu.memory_space<vmem>>)
    %dma_wait3A_373 = arith.constant 15 : i32
    %dma_wait3A_374 = arith.constant 15 : i32
    %dma_wait3A_375 = arith.constant 0 : i32
    %dma_wait3A_376 = arith.constant 0 : i32
    %dma_wait3A_377 = tpu.memref_slice %arg6[%dma_wait3A_374, %dma_wait3A_375, %dma_wait3A_376] : memref<16x128x16xf32, #tpu.memory_space<vmem>> -> memref<1x128x16xf32, #tpu.memory_space<vmem>>
    %dma_wait3A_378 = tpu.memref_squeeze %dma_wait3A_377 : memref<1x128x16xf32, #tpu.memory_space<vmem>> -> memref<128x16xf32, #tpu.memory_space<vmem>>
    %dma_wait3A_379 = arith.constant 0 : i32
    %dma_wait3A_380 = tpu.memref_slice %arg5[%dma_wait3A_373, %dma_wait3A_379] : memref<16x128xi32, #tpu.memory_space<vmem>> -> memref<1x128xi32, #tpu.memory_space<vmem>>
    %dma_wait3A_381 = tpu.memref_squeeze %dma_wait3A_380 : memref<1x128xi32, #tpu.memory_space<vmem>> -> memref<128xi32, #tpu.memory_space<vmem>>
    %dma_wait3A_382 = arith.constant 0 : i32
    %dma_wait3A_383 = arith.constant 0 : i32
    %dma_wait3A_384 = tpu.memref_slice %arg3[%dma_wait3A_382, %dma_wait3A_383] : memref<16384x16xf32, #tpu.memory_space<hbm>> -> memref<16384x16xf32, #tpu.memory_space<hbm>>
    tpu.wait_indirect_dma semaphore(%arg7 : memref<!tpu.dma_semaphore, #tpu.memory_space<semaphore_mem>>) src(%dma_wait3A_384 : memref<16384x16xf32, #tpu.memory_space<hbm>>) dst(%dma_wait3A_378 : memref<128x16xf32, #tpu.memory_space<vmem>>)
    "tpu.region"() ({
      %run_scoped3A = tpu.sem_alloc : memref<!tpu.dma_semaphore, #tpu.memory_space<semaphore_mem>>
      %dma_start3A_385 = arith.constant 0 : i32
      %dma_start3A_386 = arith.constant 0 : i32
      %dma_start3A_387 = tpu.memref_slice %arg4[%mul3A_2, %dma_start3A_385, %dma_start3A_386] : memref<512x128x16xf32, #tpu.memory_space<hbm>> -> memref<16x128x16xf32, #tpu.memory_space<hbm>>
      %dma_start3A_388 = arith.constant 0 : i32
      %dma_start3A_389 = arith.constant 0 : i32
      %dma_start3A_390 = tpu.memref_slice %arg4[%mul3A_2, %dma_start3A_388, %dma_start3A_389] : memref<512x128x16xf32, #tpu.memory_space<hbm>> -> memref<16x128x16xf32, #tpu.memory_space<hbm>>
      tpu.enqueue_dma source(%arg6 : memref<16x128x16xf32, #tpu.memory_space<vmem>>) target(%dma_start3A_390 : memref<16x128x16xf32, #tpu.memory_space<hbm>>) target_semaphore(%run_scoped3A : memref<!tpu.dma_semaphore, #tpu.memory_space<semaphore_mem>>)
      %dma_wait3A_391 = arith.constant 0 : i32
      %dma_wait3A_392 = arith.constant 0 : i32
      %dma_wait3A_393 = tpu.memref_slice %arg4[%mul3A_2, %dma_wait3A_391, %dma_wait3A_392] : memref<512x128x16xf32, #tpu.memory_space<hbm>> -> memref<16x128x16xf32, #tpu.memory_space<hbm>>
      %dma_wait3A_394 = arith.constant 0 : i32
      %dma_wait3A_395 = arith.constant 0 : i32
      %dma_wait3A_396 = tpu.memref_slice %arg4[%mul3A_2, %dma_wait3A_394, %dma_wait3A_395] : memref<512x128x16xf32, #tpu.memory_space<hbm>> -> memref<16x128x16xf32, #tpu.memory_space<hbm>>
      tpu.wait_dma2 semaphore(%run_scoped3A : memref<!tpu.dma_semaphore, #tpu.memory_space<semaphore_mem>>) src(%arg6 : memref<16x128x16xf32, #tpu.memory_space<vmem>>) dst(%dma_wait3A_396 : memref<16x128x16xf32, #tpu.memory_space<hbm>>)
      tpu.yield
    }) : () -> ()
    return
  }
}

module attributes {stable_mosaic.version = 14 : i64} {
  func.func @_fps_body(%arg0: memref<2x3x8x1024xf32, #tpu.memory_space<vmem>>, %arg1: memref<2x2048xi32, #tpu.memory_space<vmem>>, %arg2: memref<2x3x2048xf32, #tpu.memory_space<vmem>>) attributes {dimension_semantics = [], scalar_prefetch = 0 : i64, scratch_operands = 0 : i64, tpu.core_type = #tpu.core_type<tc>} {
    %get3A = arith.constant 0 : index
    %get3A_0 = arith.constant 0 : index
    %get3A_1 = arith.constant 0 : index
    %get3A_2 = arith.constant 0 : index
    %get3A_3 = vector.load %arg0[%get3A, %get3A_0, %get3A_1, %get3A_2] : memref<2x3x8x1024xf32, #tpu.memory_space<vmem>>, vector<2x3x8x1024xf32>
    %iota3A = tpu.iota {dimensions = array<i32: 1>} : vector<2x8x1024xi32>
    %mul3A = arith.constant 1024 : i32
    %mul3A_4 = vector.broadcast %mul3A : i32 to vector<2x8x1024xi32>
    %mul3A_5 = arith.muli %iota3A, %mul3A_4 : vector<2x8x1024xi32>
    %iota3A_6 = tpu.iota {dimensions = array<i32: 2>} : vector<2x8x1024xi32>
    %add3A = arith.addi %mul3A_5, %iota3A_6 : vector<2x8x1024xi32>
    %iota3A_7 = tpu.iota {dimensions = array<i32: 1>} : vector<2x2x1024xi32>
    %mul3A_8 = arith.constant 1024 : i32
    %mul3A_9 = vector.broadcast %mul3A_8 : i32 to vector<2x2x1024xi32>
    %mul3A_10 = arith.muli %iota3A_7, %mul3A_9 : vector<2x2x1024xi32>
    %iota3A_11 = tpu.iota {dimensions = array<i32: 2>} : vector<2x2x1024xi32>
    %add3A_12 = arith.addi %mul3A_10, %iota3A_11 : vector<2x2x1024xi32>
    %broadcast_in_dim3A = arith.constant 1.000000e+10 : f32
    %broadcast_in_dim3A_13 = vector.broadcast %broadcast_in_dim3A : f32 to vector<2x8x1024xf32>
    %broadcast_in_dim3A_14 = arith.constant 0 : i32
    %broadcast_in_dim3A_15 = vector.broadcast %broadcast_in_dim3A_14 : i32 to vector<2x1x1xi32>
    %broadcast_in_dim3A_16 = arith.constant 0 : i32
    %broadcast_in_dim3A_17 = vector.broadcast %broadcast_in_dim3A_16 : i32 to vector<2x2x1024xi32>
    %broadcast_in_dim3A_18 = arith.constant 0.000000e+00 : f32
    %broadcast_in_dim3A_19 = vector.broadcast %broadcast_in_dim3A_18 : f32 to vector<2x3x2x1024xf32>
    %scan3A = arith.constant 1 : i32
    %scan3A_20 = arith.constant 2047 : i32
    %scan3A_21 = arith.addi %scan3A, %scan3A_20 : i32
    %scan3A_22 = arith.constant 1 : i32
    %scan3A_23:4 = scf.for %scan3A_49 = %scan3A to %scan3A_21 step %scan3A_22 iter_args(%scan3A_50 = %broadcast_in_dim3A_13, %scan3A_51 = %broadcast_in_dim3A_15, %scan3A_52 = %broadcast_in_dim3A_17, %scan3A_53 = %broadcast_in_dim3A_19) -> (vector<2x8x1024xf32>, vector<2x1x1xi32>, vector<2x2x1024xi32>, vector<2x3x2x1024xf32>)  : i32 {
      %eq3A_54 = vector.broadcast %scan3A_51 : vector<2x1x1xi32> to vector<2x8x1024xi32>
      %eq3A_55 = arith.cmpi eq, %add3A, %eq3A_54 : vector<2x8x1024xi32>
      %convert_element_type3A_56 = arith.extui %eq3A_55 : vector<2x8x1024xi1> to vector<2x8x1024xi32>
      %convert_element_type3A_57 = arith.sitofp %convert_element_type3A_56 : vector<2x8x1024xi32> to vector<2x8x1024xf32>
      %broadcast_in_dim3A_58 = vector.shape_cast %convert_element_type3A_57 : vector<2x8x1024xf32> to vector<2x1x8x1024xf32>
      %mul3A_59 = vector.broadcast %broadcast_in_dim3A_58 : vector<2x1x8x1024xf32> to vector<2x3x8x1024xf32>
      %mul3A_60 = arith.mulf %get3A_3, %mul3A_59 : vector<2x3x8x1024xf32>
      %reduce_sum3A_61 = arith.constant dense<0.000000e+00> : vector<2x3x8xf32>
      %reduce_sum3A_62 = vector.multi_reduction <add>, %mul3A_60, %reduce_sum3A_61 [3] : vector<2x3x8x1024xf32> to vector<2x3x8xf32>
      %reduce_sum3A_63 = arith.constant dense<0.000000e+00> : vector<2x3xf32>
      %reduce_sum3A_64 = vector.multi_reduction <add>, %reduce_sum3A_62, %reduce_sum3A_63 [2] : vector<2x3x8xf32> to vector<2x3xf32>
      %broadcast_in_dim3A_65 = vector.shape_cast %add3A_12 : vector<2x2x1024xi32> to vector<2x1x2x1024xi32>
      %sub3A = arith.constant 1 : i32
      %sub3A_66 = arith.subi %scan3A_49, %sub3A : i32
      %eq3A_67 = vector.broadcast %sub3A_66 : i32 to vector<2x1x2x1024xi32>
      %eq3A_68 = arith.cmpi eq, %broadcast_in_dim3A_65, %eq3A_67 : vector<2x1x2x1024xi32>
      %broadcast_in_dim3A_69 = vector.shape_cast %reduce_sum3A_64 : vector<2x3xf32> to vector<2x3x1x1xf32>
      %broadcast_in_dim3A_70 = vector.shape_cast %eq3A_68 : vector<2x1x2x1024xi1> to vector<2x1x2x1024xi1>
      %broadcast_in_dim3A_71 = vector.broadcast %broadcast_in_dim3A_70 : vector<2x1x2x1024xi1> to vector<2x3x2x1024xi1>
      %broadcast_in_dim3A_72 = vector.shape_cast %broadcast_in_dim3A_69 : vector<2x3x1x1xf32> to vector<2x3x1x1xf32>
      %broadcast_in_dim3A_73 = vector.broadcast %broadcast_in_dim3A_72 : vector<2x3x1x1xf32> to vector<2x3x2x1024xf32>
      %select_n3A_74 = arith.select %broadcast_in_dim3A_71, %broadcast_in_dim3A_73, %scan3A_53 : vector<2x3x2x1024xi1>, vector<2x3x2x1024xf32>
      %broadcast_in_dim3A_75 = vector.shape_cast %reduce_sum3A_64 : vector<2x3xf32> to vector<2x3x1x1xf32>
      %sub3A_76 = vector.broadcast %broadcast_in_dim3A_75 : vector<2x3x1x1xf32> to vector<2x3x8x1024xf32>
      %sub3A_77 = arith.subf %get3A_3, %sub3A_76 : vector<2x3x8x1024xf32>
      %integer_pow3A = arith.mulf %sub3A_77, %sub3A_77 : vector<2x3x8x1024xf32>
      %reduce_sum3A_78 = arith.constant dense<0.000000e+00> : vector<2x8x1024xf32>
      %reduce_sum3A_79 = vector.multi_reduction <add>, %integer_pow3A, %reduce_sum3A_78 [1] : vector<2x3x8x1024xf32> to vector<2x8x1024xf32>
      %min3A = arith.minimumf %scan3A_50, %reduce_sum3A_79 : vector<2x8x1024xf32>
      %reduce_max3A = arith.constant dense<0xFF800000> : vector<2x8xf32>
      %reduce_max3A_80 = vector.multi_reduction <maximumf>, %min3A, %reduce_max3A [2] : vector<2x8x1024xf32> to vector<2x8xf32>
      %broadcast_in_dim3A_81 = vector.shape_cast %reduce_max3A_80 : vector<2x8xf32> to vector<2x8x1xf32>
      %reduce_max3A_82 = arith.constant dense<0xFF800000> : vector<2x1xf32>
      %reduce_max3A_83 = vector.multi_reduction <maximumf>, %broadcast_in_dim3A_81, %reduce_max3A_82 [1] : vector<2x8x1xf32> to vector<2x1xf32>
      %broadcast_in_dim3A_84 = vector.shape_cast %reduce_max3A_83 : vector<2x1xf32> to vector<2x1x1xf32>
      %eq3A_85 = vector.broadcast %broadcast_in_dim3A_84 : vector<2x1x1xf32> to vector<2x8x1024xf32>
      %eq3A_86 = arith.cmpf oeq, %min3A, %eq3A_85 : vector<2x8x1024xf32>
      %jit3A = arith.constant 8192 : i32
      %broadcast_in_dim3A_87 = vector.broadcast %jit3A : i32 to vector<2x8x1024xi32>
      %select_n3A_88 = arith.select %eq3A_86, %add3A, %broadcast_in_dim3A_87 : vector<2x8x1024xi1>, vector<2x8x1024xi32>
      %reduce_min3A = arith.constant dense<2147483647> : vector<2x8xi32>
      %reduce_min3A_89 = vector.multi_reduction <minsi>, %select_n3A_88, %reduce_min3A [2] : vector<2x8x1024xi32> to vector<2x8xi32>
      %broadcast_in_dim3A_90 = vector.shape_cast %reduce_min3A_89 : vector<2x8xi32> to vector<2x8x1xi32>
      %reduce_min3A_91 = arith.constant dense<2147483647> : vector<2x1xi32>
      %reduce_min3A_92 = vector.multi_reduction <minsi>, %broadcast_in_dim3A_90, %reduce_min3A_91 [1] : vector<2x8x1xi32> to vector<2x1xi32>
      %broadcast_in_dim3A_93 = vector.shape_cast %reduce_min3A_92 : vector<2x1xi32> to vector<2x1x1xi32>
      %eq3A_94 = vector.broadcast %scan3A_49 : i32 to vector<2x2x1024xi32>
      %eq3A_95 = arith.cmpi eq, %add3A_12, %eq3A_94 : vector<2x2x1024xi32>
      %broadcast_in_dim3A_96 = vector.shape_cast %broadcast_in_dim3A_93 : vector<2x1x1xi32> to vector<2x1x1xi32>
      %broadcast_in_dim3A_97 = vector.broadcast %broadcast_in_dim3A_96 : vector<2x1x1xi32> to vector<2x2x1024xi32>
      %select_n3A_98 = arith.select %eq3A_95, %broadcast_in_dim3A_97, %scan3A_52 : vector<2x2x1024xi1>, vector<2x2x1024xi32>
      scf.yield %min3A, %broadcast_in_dim3A_93, %select_n3A_98, %select_n3A_74 : vector<2x8x1024xf32>, vector<2x1x1xi32>, vector<2x2x1024xi32>, vector<2x3x2x1024xf32>
    }
    %scan3A_24 = arith.constant 2047 : i32
    %eq3A = vector.broadcast %scan3A_23#1 : vector<2x1x1xi32> to vector<2x8x1024xi32>
    %eq3A_25 = arith.cmpi eq, %add3A, %eq3A : vector<2x8x1024xi32>
    %convert_element_type3A = arith.extui %eq3A_25 : vector<2x8x1024xi1> to vector<2x8x1024xi32>
    %convert_element_type3A_26 = arith.sitofp %convert_element_type3A : vector<2x8x1024xi32> to vector<2x8x1024xf32>
    %broadcast_in_dim3A_27 = vector.shape_cast %convert_element_type3A_26 : vector<2x8x1024xf32> to vector<2x1x8x1024xf32>
    %mul3A_28 = vector.broadcast %broadcast_in_dim3A_27 : vector<2x1x8x1024xf32> to vector<2x3x8x1024xf32>
    %mul3A_29 = arith.mulf %get3A_3, %mul3A_28 : vector<2x3x8x1024xf32>
    %reduce_sum3A = arith.constant dense<0.000000e+00> : vector<2x3x8xf32>
    %reduce_sum3A_30 = vector.multi_reduction <add>, %mul3A_29, %reduce_sum3A [3] : vector<2x3x8x1024xf32> to vector<2x3x8xf32>
    %reduce_sum3A_31 = arith.constant dense<0.000000e+00> : vector<2x3xf32>
    %reduce_sum3A_32 = vector.multi_reduction <add>, %reduce_sum3A_30, %reduce_sum3A_31 [2] : vector<2x3x8xf32> to vector<2x3xf32>
    %broadcast_in_dim3A_33 = vector.shape_cast %add3A_12 : vector<2x2x1024xi32> to vector<2x1x2x1024xi32>
    %eq3A_34 = arith.constant 2047 : i32
    %eq3A_35 = vector.broadcast %eq3A_34 : i32 to vector<2x1x2x1024xi32>
    %eq3A_36 = arith.cmpi eq, %broadcast_in_dim3A_33, %eq3A_35 : vector<2x1x2x1024xi32>
    %broadcast_in_dim3A_37 = vector.shape_cast %reduce_sum3A_32 : vector<2x3xf32> to vector<2x3x1x1xf32>
    %broadcast_in_dim3A_38 = vector.shape_cast %eq3A_36 : vector<2x1x2x1024xi1> to vector<2x1x2x1024xi1>
    %broadcast_in_dim3A_39 = vector.broadcast %broadcast_in_dim3A_38 : vector<2x1x2x1024xi1> to vector<2x3x2x1024xi1>
    %broadcast_in_dim3A_40 = vector.shape_cast %broadcast_in_dim3A_37 : vector<2x3x1x1xf32> to vector<2x3x1x1xf32>
    %broadcast_in_dim3A_41 = vector.broadcast %broadcast_in_dim3A_40 : vector<2x3x1x1xf32> to vector<2x3x2x1024xf32>
    %select_n3A = arith.select %broadcast_in_dim3A_39, %broadcast_in_dim3A_41, %scan3A_23#3 : vector<2x3x2x1024xi1>, vector<2x3x2x1024xf32>
    %reshape3A = vector.shape_cast %scan3A_23#2 : vector<2x2x1024xi32> to vector<2x2048xi32>
    %swap3A = arith.constant 0 : index
    %swap3A_42 = arith.constant 0 : index
    %swap3A_43 = vector.load %arg1[%swap3A, %swap3A_42] : memref<2x2048xi32, #tpu.memory_space<vmem>>, vector<2x2048xi32>
    tpu.vector_store %arg1[%swap3A, %swap3A_42], %reshape3A {strides = array<i32>} : memref<2x2048xi32, #tpu.memory_space<vmem>>, vector<2x2048xi32>,
    %reshape3A_44 = vector.shape_cast %select_n3A : vector<2x3x2x1024xf32> to vector<2x3x2048xf32>
    %swap3A_45 = arith.constant 0 : index
    %swap3A_46 = arith.constant 0 : index
    %swap3A_47 = arith.constant 0 : index
    %swap3A_48 = vector.load %arg2[%swap3A_45, %swap3A_46, %swap3A_47] : memref<2x3x2048xf32, #tpu.memory_space<vmem>>, vector<2x3x2048xf32>
    tpu.vector_store %arg2[%swap3A_45, %swap3A_46, %swap3A_47], %reshape3A_44 {strides = array<i32>} : memref<2x3x2048xf32, #tpu.memory_space<vmem>>, vector<2x3x2048xf32>,
    return
  }
}

module attributes {stable_mosaic.version = 14 : i64} {
  func.func @_knn_body(%arg0: i32, %arg1: i32, %arg2: memref<1x3x256xf32, #tpu.memory_space<vmem>>, %arg3: memref<1x3x8192xf32, #tpu.memory_space<vmem>>, %arg4: memref<1x256x16xi32, #tpu.memory_space<vmem>>) attributes {dimension_semantics = [#tpu.dimension_semantics<arbitrary>, #tpu.dimension_semantics<arbitrary>], iteration_bounds = array<i64: 2, 8>, scalar_prefetch = 0 : i64, scratch_operands = 0 : i64, tpu.core_type = #tpu.core_type<tc>, window_params = [{transform_indices = @transform_0, window_bounds = array<i64: 1, 3, 256>}, {transform_indices = @transform_1, window_bounds = array<i64: 1, 3, 8192>}, {transform_indices = @transform_2, window_bounds = array<i64: 1, 256, 16>}]} {
    %get3A = arith.constant 0 : index
    %get3A_0 = arith.constant 0 : index
    %get3A_1 = arith.constant 0 : index
    %get3A_2 = vector.load %arg2[%get3A, %get3A_0, %get3A_1] : memref<1x3x256xf32, #tpu.memory_space<vmem>>, vector<1x3x256xf32>
    %get3A_3 = vector.shape_cast %get3A_2 : vector<1x3x256xf32> to vector<3x256xf32>
    %get3A_4 = arith.constant 0 : index
    %get3A_5 = arith.constant 0 : index
    %get3A_6 = arith.constant 0 : index
    %get3A_7 = vector.load %arg3[%get3A_4, %get3A_5, %get3A_6] : memref<1x3x8192xf32, #tpu.memory_space<vmem>>, vector<1x3x8192xf32>
    %get3A_8 = vector.shape_cast %get3A_7 : vector<1x3x8192xf32> to vector<3x8192xf32>
    %transpose3A = tpu.transpose %get3A_3, [1, 0] : vector<3x256xf32> -> vector<256x3xf32>
    %dot_general3A = arith.constant dense<0.000000e+00> : vector<256x8192xf32>
    %dot_general3A_9 = tpu.matmul %transpose3A, %get3A_8, %dot_general3A {dimension_numbers = #tpu.dot_dimension_numbers<[1], [0], [0], [1], [0, 0, 1, 1], [], []>, transpose_lhs_hint = false} : vector<256x3xf32>, vector<3x8192xf32>, vector<256x8192xf32> -> vector<256x8192xf32>
    %mul3A = arith.mulf %transpose3A, %transpose3A : vector<256x3xf32>
    %reduce_sum3A = arith.constant dense<0.000000e+00> : vector<256xf32>
    %reduce_sum3A_10 = vector.multi_reduction <add>, %mul3A, %reduce_sum3A [1] : vector<256x3xf32> to vector<256xf32>
    %broadcast_in_dim3A = vector.shape_cast %reduce_sum3A_10 : vector<256xf32> to vector<256x1xf32>
    %mul3A_11 = arith.mulf %get3A_8, %get3A_8 : vector<3x8192xf32>
    %reduce_sum3A_12 = arith.constant dense<0.000000e+00> : vector<8192xf32>
    %reduce_sum3A_13 = vector.multi_reduction <add>, %mul3A_11, %reduce_sum3A_12 [0] : vector<3x8192xf32> to vector<8192xf32>
    %broadcast_in_dim3A_14 = vector.shape_cast %reduce_sum3A_13 : vector<8192xf32> to vector<1x8192xf32>
    %mul3A_15 = arith.constant -2.000000e+00 : f32
    %mul3A_16 = vector.broadcast %mul3A_15 : f32 to vector<256x8192xf32>
    %mul3A_17 = arith.mulf %mul3A_16, %dot_general3A_9 : vector<256x8192xf32>
    %add3A = vector.broadcast %broadcast_in_dim3A : vector<256x1xf32> to vector<256x8192xf32>
    %add3A_18 = arith.addf %mul3A_17, %add3A : vector<256x8192xf32>
    %add3A_19 = vector.broadcast %broadcast_in_dim3A_14 : vector<1x8192xf32> to vector<256x8192xf32>
    %add3A_20 = arith.addf %add3A_18, %add3A_19 : vector<256x8192xf32>
    %iota3A = tpu.iota {dimensions = array<i32: 1>} : vector<256x8192xi32>
    %argmin3A = tpu.reduce_index %add3A_20 {axis = 1 : i32, kind = #tpu.reduction_kind<arg_min>} : vector<256x8192xf32> -> vector<256xi32>
    %broadcast_in_dim3A_21 = vector.shape_cast %argmin3A : vector<256xi32> to vector<256x1xi32>
    %eq3A = vector.broadcast %broadcast_in_dim3A_21 : vector<256x1xi32> to vector<256x8192xi32>
    %eq3A_22 = arith.cmpi eq, %iota3A, %eq3A : vector<256x8192xi32>
    %jit3A = arith.constant 0x7F800000 : f32
    %broadcast_in_dim3A_23 = vector.broadcast %jit3A : f32 to vector<256x8192xf32>
    %select_n3A = arith.select %eq3A_22, %broadcast_in_dim3A_23, %add3A_20 : vector<256x8192xi1>, vector<256x8192xf32>
    %argmin3A_24 = tpu.reduce_index %select_n3A {axis = 1 : i32, kind = #tpu.reduction_kind<arg_min>} : vector<256x8192xf32> -> vector<256xi32>
    %broadcast_in_dim3A_25 = vector.shape_cast %argmin3A_24 : vector<256xi32> to vector<256x1xi32>
    %eq3A_26 = vector.broadcast %broadcast_in_dim3A_25 : vector<256x1xi32> to vector<256x8192xi32>
    %eq3A_27 = arith.cmpi eq, %iota3A, %eq3A_26 : vector<256x8192xi32>
    %jit3A_28 = arith.constant 0x7F800000 : f32
    %broadcast_in_dim3A_29 = vector.broadcast %jit3A_28 : f32 to vector<256x8192xf32>
    %select_n3A_30 = arith.select %eq3A_27, %broadcast_in_dim3A_29, %select_n3A : vector<256x8192xi1>, vector<256x8192xf32>
    %argmin3A_31 = tpu.reduce_index %select_n3A_30 {axis = 1 : i32, kind = #tpu.reduction_kind<arg_min>} : vector<256x8192xf32> -> vector<256xi32>
    %broadcast_in_dim3A_32 = vector.shape_cast %argmin3A_31 : vector<256xi32> to vector<256x1xi32>
    %eq3A_33 = vector.broadcast %broadcast_in_dim3A_32 : vector<256x1xi32> to vector<256x8192xi32>
    %eq3A_34 = arith.cmpi eq, %iota3A, %eq3A_33 : vector<256x8192xi32>
    %jit3A_35 = arith.constant 0x7F800000 : f32
    %broadcast_in_dim3A_36 = vector.broadcast %jit3A_35 : f32 to vector<256x8192xf32>
    %select_n3A_37 = arith.select %eq3A_34, %broadcast_in_dim3A_36, %select_n3A_30 : vector<256x8192xi1>, vector<256x8192xf32>
    %argmin3A_38 = tpu.reduce_index %select_n3A_37 {axis = 1 : i32, kind = #tpu.reduction_kind<arg_min>} : vector<256x8192xf32> -> vector<256xi32>
    %broadcast_in_dim3A_39 = vector.shape_cast %argmin3A_38 : vector<256xi32> to vector<256x1xi32>
    %eq3A_40 = vector.broadcast %broadcast_in_dim3A_39 : vector<256x1xi32> to vector<256x8192xi32>
    %eq3A_41 = arith.cmpi eq, %iota3A, %eq3A_40 : vector<256x8192xi32>
    %jit3A_42 = arith.constant 0x7F800000 : f32
    %broadcast_in_dim3A_43 = vector.broadcast %jit3A_42 : f32 to vector<256x8192xf32>
    %select_n3A_44 = arith.select %eq3A_41, %broadcast_in_dim3A_43, %select_n3A_37 : vector<256x8192xi1>, vector<256x8192xf32>
    %argmin3A_45 = tpu.reduce_index %select_n3A_44 {axis = 1 : i32, kind = #tpu.reduction_kind<arg_min>} : vector<256x8192xf32> -> vector<256xi32>
    %broadcast_in_dim3A_46 = vector.shape_cast %argmin3A_45 : vector<256xi32> to vector<256x1xi32>
    %eq3A_47 = vector.broadcast %broadcast_in_dim3A_46 : vector<256x1xi32> to vector<256x8192xi32>
    %eq3A_48 = arith.cmpi eq, %iota3A, %eq3A_47 : vector<256x8192xi32>
    %jit3A_49 = arith.constant 0x7F800000 : f32
    %broadcast_in_dim3A_50 = vector.broadcast %jit3A_49 : f32 to vector<256x8192xf32>
    %select_n3A_51 = arith.select %eq3A_48, %broadcast_in_dim3A_50, %select_n3A_44 : vector<256x8192xi1>, vector<256x8192xf32>
    %argmin3A_52 = tpu.reduce_index %select_n3A_51 {axis = 1 : i32, kind = #tpu.reduction_kind<arg_min>} : vector<256x8192xf32> -> vector<256xi32>
    %broadcast_in_dim3A_53 = vector.shape_cast %argmin3A_52 : vector<256xi32> to vector<256x1xi32>
    %eq3A_54 = vector.broadcast %broadcast_in_dim3A_53 : vector<256x1xi32> to vector<256x8192xi32>
    %eq3A_55 = arith.cmpi eq, %iota3A, %eq3A_54 : vector<256x8192xi32>
    %jit3A_56 = arith.constant 0x7F800000 : f32
    %broadcast_in_dim3A_57 = vector.broadcast %jit3A_56 : f32 to vector<256x8192xf32>
    %select_n3A_58 = arith.select %eq3A_55, %broadcast_in_dim3A_57, %select_n3A_51 : vector<256x8192xi1>, vector<256x8192xf32>
    %argmin3A_59 = tpu.reduce_index %select_n3A_58 {axis = 1 : i32, kind = #tpu.reduction_kind<arg_min>} : vector<256x8192xf32> -> vector<256xi32>
    %broadcast_in_dim3A_60 = vector.shape_cast %argmin3A_59 : vector<256xi32> to vector<256x1xi32>
    %eq3A_61 = vector.broadcast %broadcast_in_dim3A_60 : vector<256x1xi32> to vector<256x8192xi32>
    %eq3A_62 = arith.cmpi eq, %iota3A, %eq3A_61 : vector<256x8192xi32>
    %jit3A_63 = arith.constant 0x7F800000 : f32
    %broadcast_in_dim3A_64 = vector.broadcast %jit3A_63 : f32 to vector<256x8192xf32>
    %select_n3A_65 = arith.select %eq3A_62, %broadcast_in_dim3A_64, %select_n3A_58 : vector<256x8192xi1>, vector<256x8192xf32>
    %argmin3A_66 = tpu.reduce_index %select_n3A_65 {axis = 1 : i32, kind = #tpu.reduction_kind<arg_min>} : vector<256x8192xf32> -> vector<256xi32>
    %broadcast_in_dim3A_67 = vector.shape_cast %argmin3A_66 : vector<256xi32> to vector<256x1xi32>
    %eq3A_68 = vector.broadcast %broadcast_in_dim3A_67 : vector<256x1xi32> to vector<256x8192xi32>
    %eq3A_69 = arith.cmpi eq, %iota3A, %eq3A_68 : vector<256x8192xi32>
    %jit3A_70 = arith.constant 0x7F800000 : f32
    %broadcast_in_dim3A_71 = vector.broadcast %jit3A_70 : f32 to vector<256x8192xf32>
    %select_n3A_72 = arith.select %eq3A_69, %broadcast_in_dim3A_71, %select_n3A_65 : vector<256x8192xi1>, vector<256x8192xf32>
    %argmin3A_73 = tpu.reduce_index %select_n3A_72 {axis = 1 : i32, kind = #tpu.reduction_kind<arg_min>} : vector<256x8192xf32> -> vector<256xi32>
    %broadcast_in_dim3A_74 = vector.shape_cast %argmin3A_73 : vector<256xi32> to vector<256x1xi32>
    %eq3A_75 = vector.broadcast %broadcast_in_dim3A_74 : vector<256x1xi32> to vector<256x8192xi32>
    %eq3A_76 = arith.cmpi eq, %iota3A, %eq3A_75 : vector<256x8192xi32>
    %jit3A_77 = arith.constant 0x7F800000 : f32
    %broadcast_in_dim3A_78 = vector.broadcast %jit3A_77 : f32 to vector<256x8192xf32>
    %select_n3A_79 = arith.select %eq3A_76, %broadcast_in_dim3A_78, %select_n3A_72 : vector<256x8192xi1>, vector<256x8192xf32>
    %argmin3A_80 = tpu.reduce_index %select_n3A_79 {axis = 1 : i32, kind = #tpu.reduction_kind<arg_min>} : vector<256x8192xf32> -> vector<256xi32>
    %broadcast_in_dim3A_81 = vector.shape_cast %argmin3A_80 : vector<256xi32> to vector<256x1xi32>
    %eq3A_82 = vector.broadcast %broadcast_in_dim3A_81 : vector<256x1xi32> to vector<256x8192xi32>
    %eq3A_83 = arith.cmpi eq, %iota3A, %eq3A_82 : vector<256x8192xi32>
    %jit3A_84 = arith.constant 0x7F800000 : f32
    %broadcast_in_dim3A_85 = vector.broadcast %jit3A_84 : f32 to vector<256x8192xf32>
    %select_n3A_86 = arith.select %eq3A_83, %broadcast_in_dim3A_85, %select_n3A_79 : vector<256x8192xi1>, vector<256x8192xf32>
    %argmin3A_87 = tpu.reduce_index %select_n3A_86 {axis = 1 : i32, kind = #tpu.reduction_kind<arg_min>} : vector<256x8192xf32> -> vector<256xi32>
    %broadcast_in_dim3A_88 = vector.shape_cast %argmin3A_87 : vector<256xi32> to vector<256x1xi32>
    %eq3A_89 = vector.broadcast %broadcast_in_dim3A_88 : vector<256x1xi32> to vector<256x8192xi32>
    %eq3A_90 = arith.cmpi eq, %iota3A, %eq3A_89 : vector<256x8192xi32>
    %jit3A_91 = arith.constant 0x7F800000 : f32
    %broadcast_in_dim3A_92 = vector.broadcast %jit3A_91 : f32 to vector<256x8192xf32>
    %select_n3A_93 = arith.select %eq3A_90, %broadcast_in_dim3A_92, %select_n3A_86 : vector<256x8192xi1>, vector<256x8192xf32>
    %argmin3A_94 = tpu.reduce_index %select_n3A_93 {axis = 1 : i32, kind = #tpu.reduction_kind<arg_min>} : vector<256x8192xf32> -> vector<256xi32>
    %broadcast_in_dim3A_95 = vector.shape_cast %argmin3A_94 : vector<256xi32> to vector<256x1xi32>
    %eq3A_96 = vector.broadcast %broadcast_in_dim3A_95 : vector<256x1xi32> to vector<256x8192xi32>
    %eq3A_97 = arith.cmpi eq, %iota3A, %eq3A_96 : vector<256x8192xi32>
    %jit3A_98 = arith.constant 0x7F800000 : f32
    %broadcast_in_dim3A_99 = vector.broadcast %jit3A_98 : f32 to vector<256x8192xf32>
    %select_n3A_100 = arith.select %eq3A_97, %broadcast_in_dim3A_99, %select_n3A_93 : vector<256x8192xi1>, vector<256x8192xf32>
    %argmin3A_101 = tpu.reduce_index %select_n3A_100 {axis = 1 : i32, kind = #tpu.reduction_kind<arg_min>} : vector<256x8192xf32> -> vector<256xi32>
    %broadcast_in_dim3A_102 = vector.shape_cast %argmin3A_101 : vector<256xi32> to vector<256x1xi32>
    %eq3A_103 = vector.broadcast %broadcast_in_dim3A_102 : vector<256x1xi32> to vector<256x8192xi32>
    %eq3A_104 = arith.cmpi eq, %iota3A, %eq3A_103 : vector<256x8192xi32>
    %jit3A_105 = arith.constant 0x7F800000 : f32
    %broadcast_in_dim3A_106 = vector.broadcast %jit3A_105 : f32 to vector<256x8192xf32>
    %select_n3A_107 = arith.select %eq3A_104, %broadcast_in_dim3A_106, %select_n3A_100 : vector<256x8192xi1>, vector<256x8192xf32>
    %argmin3A_108 = tpu.reduce_index %select_n3A_107 {axis = 1 : i32, kind = #tpu.reduction_kind<arg_min>} : vector<256x8192xf32> -> vector<256xi32>
    %broadcast_in_dim3A_109 = vector.shape_cast %argmin3A_108 : vector<256xi32> to vector<256x1xi32>
    %eq3A_110 = vector.broadcast %broadcast_in_dim3A_109 : vector<256x1xi32> to vector<256x8192xi32>
    %eq3A_111 = arith.cmpi eq, %iota3A, %eq3A_110 : vector<256x8192xi32>
    %jit3A_112 = arith.constant 0x7F800000 : f32
    %broadcast_in_dim3A_113 = vector.broadcast %jit3A_112 : f32 to vector<256x8192xf32>
    %select_n3A_114 = arith.select %eq3A_111, %broadcast_in_dim3A_113, %select_n3A_107 : vector<256x8192xi1>, vector<256x8192xf32>
    %argmin3A_115 = tpu.reduce_index %select_n3A_114 {axis = 1 : i32, kind = #tpu.reduction_kind<arg_min>} : vector<256x8192xf32> -> vector<256xi32>
    %broadcast_in_dim3A_116 = vector.shape_cast %argmin3A_115 : vector<256xi32> to vector<256x1xi32>
    %eq3A_117 = vector.broadcast %broadcast_in_dim3A_116 : vector<256x1xi32> to vector<256x8192xi32>
    %eq3A_118 = arith.cmpi eq, %iota3A, %eq3A_117 : vector<256x8192xi32>
    %jit3A_119 = arith.constant 0x7F800000 : f32
    %broadcast_in_dim3A_120 = vector.broadcast %jit3A_119 : f32 to vector<256x8192xf32>
    %select_n3A_121 = arith.select %eq3A_118, %broadcast_in_dim3A_120, %select_n3A_114 : vector<256x8192xi1>, vector<256x8192xf32>
    %argmin3A_122 = tpu.reduce_index %select_n3A_121 {axis = 1 : i32, kind = #tpu.reduction_kind<arg_min>} : vector<256x8192xf32> -> vector<256xi32>
    %broadcast_in_dim3A_123 = vector.shape_cast %argmin3A_122 : vector<256xi32> to vector<256x1xi32>
    %concatenate3A = tpu.concatenate %broadcast_in_dim3A_21, %broadcast_in_dim3A_25, %broadcast_in_dim3A_32, %broadcast_in_dim3A_39, %broadcast_in_dim3A_46, %broadcast_in_dim3A_53, %broadcast_in_dim3A_60, %broadcast_in_dim3A_67, %broadcast_in_dim3A_74, %broadcast_in_dim3A_81, %broadcast_in_dim3A_88, %broadcast_in_dim3A_95, %broadcast_in_dim3A_102, %broadcast_in_dim3A_109, %broadcast_in_dim3A_116, %broadcast_in_dim3A_123 in 1 : vector<256x1xi32>, vector<256x1xi32>, vector<256x1xi32>, vector<256x1xi32>, vector<256x1xi32>, vector<256x1xi32>, vector<256x1xi32>, vector<256x1xi32>, vector<256x1xi32>, vector<256x1xi32>, vector<256x1xi32>, vector<256x1xi32>, vector<256x1xi32>, vector<256x1xi32>, vector<256x1xi32>, vector<256x1xi32> -> vector<256x16xi32>
    %swap3A = arith.constant 0 : index
    %swap3A_124 = arith.constant 0 : index
    %swap3A_125 = arith.constant 0 : index
    %swap3A_126 = vector.load %arg4[%swap3A, %swap3A_124, %swap3A_125] : memref<1x256x16xi32, #tpu.memory_space<vmem>>, vector<1x256x16xi32>
    %swap3A_127 = vector.shape_cast %swap3A_126 : vector<1x256x16xi32> to vector<256x16xi32>
    %swap3A_128 = vector.shape_cast %concatenate3A : vector<256x16xi32> to vector<1x256x16xi32>
    tpu.vector_store %arg4[%swap3A, %swap3A_124, %swap3A_125], %swap3A_128 {strides = array<i32>} : memref<1x256x16xi32, #tpu.memory_space<vmem>>, vector<1x256x16xi32>,
    return
  }
  func.func @transform_0(%arg0: i32, %arg1: i32) -> (i32, i32, i32) {
    %c0_i32 = arith.constant 0 : i32
    %c0_i32_0 = arith.constant 0 : i32
    return %arg0, %c0_i32, %arg1 : i32, i32, i32
  }
  func.func @transform_1(%arg0: i32, %arg1: i32) -> (i32, i32, i32) {
    %c0_i32 = arith.constant 0 : i32
    %c0_i32_0 = arith.constant 0 : i32
    %c0_i32_1 = arith.constant 0 : i32
    return %arg0, %c0_i32, %c0_i32_0 : i32, i32, i32
  }
  func.func @transform_2(%arg0: i32, %arg1: i32) -> (i32, i32, i32) {
    %c0_i32 = arith.constant 0 : i32
    %c0_i32_0 = arith.constant 0 : i32
    return %arg0, %arg1, %c0_i32 : i32, i32, i32
  }
}

module attributes {stable_mosaic.version = 14 : i64} {
  func.func @_d1_body(%arg0: i32, %arg1: memref<8192x16xf32, #tpu.memory_space<vmem>>, %arg2: memref<512x16xf32, #tpu.memory_space<vmem>>, %arg3: memref<16x16xf32, #tpu.memory_space<vmem>>, %arg4: memref<8x16xf32, #tpu.memory_space<vmem>>) attributes {dimension_semantics = [#tpu.dimension_semantics<arbitrary>], iteration_bounds = array<i64: 8>, scalar_prefetch = 0 : i64, scratch_operands = 0 : i64, tpu.core_type = #tpu.core_type<tc>, window_params = [{transform_indices = @transform_0, window_bounds = array<i64: 8192, 16>}, {transform_indices = @transform_1, window_bounds = array<i64: 512, 16>}, {pipeline_mode = #tpu.pipeline_mode<synchronous>, transform_indices = @transform_2, window_bounds = array<i64: 16, 16>}, {pipeline_mode = #tpu.pipeline_mode<synchronous>, transform_indices = @transform_3, window_bounds = array<i64: 8, 16>}]} {
    %get3A = arith.constant 0 : index
    %get3A_0 = arith.constant 0 : index
    %get3A_1 = vector.load %arg1[%get3A, %get3A_0] : memref<8192x16xf32, #tpu.memory_space<vmem>>, vector<8192x16xf32>
    %get3A_2 = arith.constant 0 : index
    %get3A_3 = arith.constant 0 : index
    %get3A_4 = vector.load %arg2[%get3A_2, %get3A_3] : memref<512x16xf32, #tpu.memory_space<vmem>>, vector<512x16xf32>
    %broadcast_in_dim3A = vector.shape_cast %get3A_4 : vector<512x16xf32> to vector<512x1x16xf32>
    %broadcast_in_dim3A_5 = vector.shape_cast %broadcast_in_dim3A : vector<512x1x16xf32> to vector<512x1x16xf32>
    %broadcast_in_dim3A_6 = vector.broadcast %broadcast_in_dim3A_5 : vector<512x1x16xf32> to vector<512x16x16xf32>
    %reshape3A = vector.shape_cast %broadcast_in_dim3A_6 : vector<512x16x16xf32> to vector<8192x16xf32>
    %sub3A = arith.subf %get3A_1, %reshape3A : vector<8192x16xf32>
    %convert_element_type3A = arith.truncf %sub3A : vector<8192x16xf32> to vector<8192x16xbf16>
    %convert_element_type3A_7 = arith.extf %convert_element_type3A : vector<8192x16xbf16> to vector<8192x16xf32>
    %dot_general3A = arith.constant dense<0.000000e+00> : vector<16x16xf32>
    %dot_general3A_8 = tpu.matmul %convert_element_type3A_7, %convert_element_type3A_7, %dot_general3A {dimension_numbers = #tpu.dot_dimension_numbers<[0], [0], [1], [1], [0, 1, 1, 1], [], []>, precision = #tpu.contract_precision<fp32>, transpose_lhs_hint = false} : vector<8192x16xf32>, vector<8192x16xf32>, vector<16x16xf32> -> vector<16x16xf32>
    %reduce_sum3A = arith.constant dense<0.000000e+00> : vector<16xf32>
    %reduce_sum3A_9 = vector.multi_reduction <add>, %convert_element_type3A_7, %reduce_sum3A [0] : vector<8192x16xf32> to vector<16xf32>
    %broadcast_in_dim3A_10 = vector.shape_cast %reduce_sum3A_9 : vector<16xf32> to vector<1x16xf32>
    %broadcast_in_dim3A_11 = vector.shape_cast %broadcast_in_dim3A_10 : vector<1x16xf32> to vector<1x16xf32>
    %broadcast_in_dim3A_12 = vector.broadcast %broadcast_in_dim3A_11 : vector<1x16xf32> to vector<8x16xf32>
    %eq3A = arith.constant 0 : i32
    %eq3A_13 = arith.cmpi eq, %arg0, %eq3A : i32
    %convert_element_type3A_14 = arith.extui %eq3A_13 : i1 to i32
    %cond3A = arith.constant 0 : i32
    %cond3A_15 = arith.cmpi ne, %convert_element_type3A_14, %cond3A : i32
    scf.if %cond3A_15 {
      %swap3A = arith.constant 0 : index
      %swap3A_20 = arith.constant 0 : index
      %swap3A_21 = vector.load %arg3[%swap3A, %swap3A_20] : memref<16x16xf32, #tpu.memory_space<vmem>>, vector<16x16xf32>
      tpu.vector_store %arg3[%swap3A, %swap3A_20], %dot_general3A_8 {strides = array<i32>} : memref<16x16xf32, #tpu.memory_space<vmem>>, vector<16x16xf32>,
      %swap3A_22 = arith.constant 0 : index
      %swap3A_23 = arith.constant 0 : index
      %swap3A_24 = vector.load %arg4[%swap3A_22, %swap3A_23] : memref<8x16xf32, #tpu.memory_space<vmem>>, vector<8x16xf32>
      tpu.vector_store %arg4[%swap3A_22, %swap3A_23], %broadcast_in_dim3A_12 {strides = array<i32>} : memref<8x16xf32, #tpu.memory_space<vmem>>, vector<8x16xf32>,
    } else {
    }
    %gt3A = arith.constant 0 : i32
    %gt3A_16 = arith.cmpi sgt, %arg0, %gt3A : i32
    %convert_element_type3A_17 = arith.extui %gt3A_16 : i1 to i32
    %cond3A_18 = arith.constant 0 : i32
    %cond3A_19 = arith.cmpi ne, %convert_element_type3A_17, %cond3A_18 : i32
    scf.if %cond3A_19 {
      %get3A_20 = arith.constant 0 : index
      %get3A_21 = arith.constant 0 : index
      %get3A_22 = vector.load %arg3[%get3A_20, %get3A_21] : memref<16x16xf32, #tpu.memory_space<vmem>>, vector<16x16xf32>
      %add3A = arith.addf %get3A_22, %dot_general3A_8 : vector<16x16xf32>
      %swap3A = arith.constant 0 : index
      %swap3A_23 = arith.constant 0 : index
      %swap3A_24 = vector.load %arg3[%swap3A, %swap3A_23] : memref<16x16xf32, #tpu.memory_space<vmem>>, vector<16x16xf32>
      tpu.vector_store %arg3[%swap3A, %swap3A_23], %add3A {strides = array<i32>} : memref<16x16xf32, #tpu.memory_space<vmem>>, vector<16x16xf32>,
      %get3A_25 = arith.constant 0 : index
      %get3A_26 = arith.constant 0 : index
      %get3A_27 = vector.load %arg4[%get3A_25, %get3A_26] : memref<8x16xf32, #tpu.memory_space<vmem>>, vector<8x16xf32>
      %add3A_28 = arith.addf %get3A_27, %broadcast_in_dim3A_12 : vector<8x16xf32>
      %swap3A_29 = arith.constant 0 : index
      %swap3A_30 = arith.constant 0 : index
      %swap3A_31 = vector.load %arg4[%swap3A_29, %swap3A_30] : memref<8x16xf32, #tpu.memory_space<vmem>>, vector<8x16xf32>
      tpu.vector_store %arg4[%swap3A_29, %swap3A_30], %add3A_28 {strides = array<i32>} : memref<8x16xf32, #tpu.memory_space<vmem>>, vector<8x16xf32>,
    } else {
    }
    return
  }
  func.func @transform_0(%arg0: i32) -> (i32, i32) {
    %c0_i32 = arith.constant 0 : i32
    %c0_i32_0 = arith.constant 0 : i32
    return %arg0, %c0_i32 : i32, i32
  }
  func.func @transform_1(%arg0: i32) -> (i32, i32) {
    %c0_i32 = arith.constant 0 : i32
    %c0_i32_0 = arith.constant 0 : i32
    return %arg0, %c0_i32 : i32, i32
  }
  func.func @transform_2(%arg0: i32) -> (i32, i32) {
    %c0_i32 = arith.constant 0 : i32
    %c0_i32_0 = arith.constant 0 : i32
    %c0_i32_1 = arith.constant 0 : i32
    return %c0_i32, %c0_i32_0 : i32, i32
  }
  func.func @transform_3(%arg0: i32) -> (i32, i32) {
    %c0_i32 = arith.constant 0 : i32
    %c0_i32_0 = arith.constant 0 : i32
    %c0_i32_1 = arith.constant 0 : i32
    return %c0_i32, %c0_i32_0 : i32, i32
  }
}

module attributes {stable_mosaic.version = 14 : i64} {
  func.func @_d2_body(%arg0: i32, %arg1: memref<8192x16xf32, #tpu.memory_space<vmem>>, %arg2: memref<512x16xf32, #tpu.memory_space<vmem>>, %arg3: memref<16x16xf32, #tpu.memory_space<vmem>>, %arg4: memref<8x16xf32, #tpu.memory_space<vmem>>, %arg5: memref<512x16xf32, #tpu.memory_space<vmem>>, %arg6: memref<1x8x128xf32, #tpu.memory_space<vmem>>) attributes {dimension_semantics = [#tpu.dimension_semantics<arbitrary>], iteration_bounds = array<i64: 8>, scalar_prefetch = 0 : i64, scratch_operands = 0 : i64, tpu.core_type = #tpu.core_type<tc>, window_params = [{transform_indices = @transform_0, window_bounds = array<i64: 8192, 16>}, {transform_indices = @transform_1, window_bounds = array<i64: 512, 16>}, {pipeline_mode = #tpu.pipeline_mode<synchronous>, transform_indices = @transform_2, window_bounds = array<i64: 16, 16>}, {pipeline_mode = #tpu.pipeline_mode<synchronous>, transform_indices = @transform_3, window_bounds = array<i64: 8, 16>}, {transform_indices = @transform_4, window_bounds = array<i64: 512, 16>}, {transform_indices = @transform_5, window_bounds = array<i64: 1, 8, 128>}]} {
    %get3A = arith.constant 0 : index
    %get3A_0 = arith.constant 0 : index
    %get3A_1 = vector.load %arg1[%get3A, %get3A_0] : memref<8192x16xf32, #tpu.memory_space<vmem>>, vector<8192x16xf32>
    %get3A_2 = arith.constant 0 : index
    %get3A_3 = arith.constant 0 : index
    %get3A_4 = vector.load %arg2[%get3A_2, %get3A_3] : memref<512x16xf32, #tpu.memory_space<vmem>>, vector<512x16xf32>
    %broadcast_in_dim3A = vector.shape_cast %get3A_4 : vector<512x16xf32> to vector<512x1x16xf32>
    %broadcast_in_dim3A_5 = vector.shape_cast %broadcast_in_dim3A : vector<512x1x16xf32> to vector<512x1x16xf32>
    %broadcast_in_dim3A_6 = vector.broadcast %broadcast_in_dim3A_5 : vector<512x1x16xf32> to vector<512x16x16xf32>
    %reshape3A = vector.shape_cast %broadcast_in_dim3A_6 : vector<512x16x16xf32> to vector<8192x16xf32>
    %sub3A = arith.subf %get3A_1, %reshape3A : vector<8192x16xf32>
    %convert_element_type3A = arith.truncf %sub3A : vector<8192x16xf32> to vector<8192x16xbf16>
    %convert_element_type3A_7 = arith.extf %convert_element_type3A : vector<8192x16xbf16> to vector<8192x16xf32>
    %get3A_8 = arith.constant 0 : index
    %get3A_9 = arith.constant 0 : index
    %get3A_10 = vector.load %arg3[%get3A_8, %get3A_9] : memref<16x16xf32, #tpu.memory_space<vmem>>, vector<16x16xf32>
    %convert_element_type3A_11 = arith.truncf %get3A_10 : vector<16x16xf32> to vector<16x16xbf16>
    %convert_element_type3A_12 = arith.extf %convert_element_type3A_11 : vector<16x16xbf16> to vector<16x16xf32>
    %dot_general3A = arith.constant dense<0.000000e+00> : vector<8192x16xf32>
    %dot_general3A_13 = tpu.matmul %convert_element_type3A_7, %convert_element_type3A_12, %dot_general3A {dimension_numbers = #tpu.dot_dimension_numbers<[1], [1], [0], [0], [0, 0, 1, 0], [], []>, precision = #tpu.contract_precision<fp32>, transpose_lhs_hint = false} : vector<8192x16xf32>, vector<16x16xf32>, vector<8192x16xf32> -> vector<8192x16xf32>
    %get3A_14 = arith.constant 0 : index
    %get3A_15 = arith.constant 0 : index
    %get3A_16 = vector.load %arg4[%get3A_14, %get3A_15] : memref<8x16xf32, #tpu.memory_space<vmem>>, vector<1x16xf32>
    %mul3A = vector.broadcast %get3A_16 : vector<1x16xf32> to vector<8192x16xf32>
    %mul3A_17 = arith.mulf %dot_general3A_13, %mul3A : vector<8192x16xf32>
    %get3A_18 = arith.constant 1 : index
    %get3A_19 = arith.constant 0 : index
    %get3A_20 = vector.load %arg4[%get3A_18, %get3A_19] : memref<8x16xf32, #tpu.memory_space<vmem>>, vector<1x16xf32>
    %add3A = vector.broadcast %get3A_20 : vector<1x16xf32> to vector<8192x16xf32>
    %add3A_21 = arith.addf %mul3A_17, %add3A : vector<8192x16xf32>
    %ge3A = arith.constant 0.000000e+00 : f32
    %ge3A_22 = vector.broadcast %ge3A : f32 to vector<8192x16xf32>
    %ge3A_23 = arith.cmpf oge, %add3A_21, %ge3A_22 : vector<8192x16xf32>
    %mul3A_24 = arith.constant 1.000000e-01 : f32
    %mul3A_25 = vector.broadcast %mul3A_24 : f32 to vector<8192x16xf32>
    %mul3A_26 = arith.mulf %mul3A_25, %add3A_21 : vector<8192x16xf32>
    %select_n3A = arith.select %ge3A_23, %add3A_21, %mul3A_26 : vector<8192x16xi1>, vector<8192x16xf32>
    %convert_element_type3A_27 = arith.truncf %select_n3A : vector<8192x16xf32> to vector<8192x16xbf16>
    %convert_element_type3A_28 = arith.extf %convert_element_type3A_27 : vector<8192x16xbf16> to vector<8192x16xf32>
    %get3A_29 = arith.constant 2 : index
    %get3A_30 = arith.constant 0 : index
    %get3A_31 = vector.load %arg4[%get3A_29, %get3A_30] : memref<8x16xf32, #tpu.memory_space<vmem>>, vector<1x16xf32>
    %mul3A_32 = vector.broadcast %get3A_31 : vector<1x16xf32> to vector<8192x16xf32>
    %mul3A_33 = arith.mulf %convert_element_type3A_7, %mul3A_32 : vector<8192x16xf32>
    %reduce_sum3A = arith.constant dense<0.000000e+00> : vector<8192xf32>
    %reduce_sum3A_34 = vector.multi_reduction <add>, %mul3A_33, %reduce_sum3A [1] : vector<8192x16xf32> to vector<8192xf32>
    %broadcast_in_dim3A_35 = vector.shape_cast %reduce_sum3A_34 : vector<8192xf32> to vector<8192x1xf32>
    %mul3A_36 = vector.broadcast %broadcast_in_dim3A_35 : vector<8192x1xf32> to vector<8192x16xf32>
    %mul3A_37 = arith.mulf %convert_element_type3A_28, %mul3A_36 : vector<8192x16xf32>
    %reshape3A_38 = vector.shape_cast %mul3A_37 : vector<8192x16xf32> to vector<512x16x16xf32>
    %reduce_sum3A_39 = arith.constant dense<0.000000e+00> : vector<512x16xf32>
    %reduce_sum3A_40 = vector.multi_reduction <add>, %reshape3A_38, %reduce_sum3A_39 [1] : vector<512x16x16xf32> to vector<512x16xf32>
    %swap3A = arith.constant 0 : index
    %swap3A_41 = arith.constant 0 : index
    %swap3A_42 = vector.load %arg5[%swap3A, %swap3A_41] : memref<512x16xf32, #tpu.memory_space<vmem>>, vector<512x16xf32>
    tpu.vector_store %arg5[%swap3A, %swap3A_41], %reduce_sum3A_40 {strides = array<i32>} : memref<512x16xf32, #tpu.memory_space<vmem>>, vector<512x16xf32>,
    %reduce_sum3A_43 = vector.shape_cast %reduce_sum3A_40 : vector<512x16xf32> to vector<1x512x16xf32>
    %reduce_sum3A_44 = arith.constant dense<0.000000e+00> : vector<1xf32>
    %reduce_sum3A_45 = vector.multi_reduction <add>, %reduce_sum3A_43, %reduce_sum3A_44 [1, 2] : vector<1x512x16xf32> to vector<1xf32>
    %reduce_sum3A_46 = vector.shape_cast %reduce_sum3A_45 : vector<1xf32> to vector<1x1x1xf32>
    %reduce_sum3A_47 = vector.extract %reduce_sum3A_46[0, 0, 0] : f32 from vector<1x1x1xf32>
    %mul3A_48 = arith.mulf %reduce_sum3A_40, %reduce_sum3A_40 : vector<512x16xf32>
    %reduce_sum3A_49 = vector.shape_cast %mul3A_48 : vector<512x16xf32> to vector<1x512x16xf32>
    %reduce_sum3A_50 = arith.constant dense<0.000000e+00> : vector<1xf32>
    %reduce_sum3A_51 = vector.multi_reduction <add>, %reduce_sum3A_49, %reduce_sum3A_50 [1, 2] : vector<1x512x16xf32> to vector<1xf32>
    %reduce_sum3A_52 = vector.shape_cast %reduce_sum3A_51 : vector<1xf32> to vector<1x1x1xf32>
    %reduce_sum3A_53 = vector.extract %reduce_sum3A_52[0, 0, 0] : f32 from vector<1x1x1xf32>
    %iota3A = tpu.iota {dimensions = array<i32: 1>} : vector<1x8x128xi32>
    %eq3A = arith.constant 0 : i32
    %eq3A_54 = vector.broadcast %eq3A : i32 to vector<1x8x128xi32>
    %eq3A_55 = arith.cmpi eq, %iota3A, %eq3A_54 : vector<1x8x128xi32>
    %broadcast_in_dim3A_56 = vector.broadcast %reduce_sum3A_47 : f32 to vector<1x8x128xf32>
    %broadcast_in_dim3A_57 = vector.broadcast %reduce_sum3A_53 : f32 to vector<1x8x128xf32>
    %select_n3A_58 = arith.select %eq3A_55, %broadcast_in_dim3A_56, %broadcast_in_dim3A_57 : vector<1x8x128xi1>, vector<1x8x128xf32>
    %swap3A_59 = arith.constant 0 : index
    %swap3A_60 = arith.constant 0 : index
    %swap3A_61 = arith.constant 0 : index
    %swap3A_62 = vector.load %arg6[%swap3A_59, %swap3A_60, %swap3A_61] : memref<1x8x128xf32, #tpu.memory_space<vmem>>, vector<1x8x128xf32>
    tpu.vector_store %arg6[%swap3A_59, %swap3A_60, %swap3A_61], %select_n3A_58 {strides = array<i32>} : memref<1x8x128xf32, #tpu.memory_space<vmem>>, vector<1x8x128xf32>,
    return
  }
  func.func @transform_0(%arg0: i32) -> (i32, i32) {
    %c0_i32 = arith.constant 0 : i32
    %c0_i32_0 = arith.constant 0 : i32
    return %arg0, %c0_i32 : i32, i32
  }
  func.func @transform_1(%arg0: i32) -> (i32, i32) {
    %c0_i32 = arith.constant 0 : i32
    %c0_i32_0 = arith.constant 0 : i32
    return %arg0, %c0_i32 : i32, i32
  }
  func.func @transform_2(%arg0: i32) -> (i32, i32) {
    %c0_i32 = arith.constant 0 : i32
    %c0_i32_0 = arith.constant 0 : i32
    %c0_i32_1 = arith.constant 0 : i32
    return %c0_i32, %c0_i32_0 : i32, i32
  }
  func.func @transform_3(%arg0: i32) -> (i32, i32) {
    %c0_i32 = arith.constant 0 : i32
    %c0_i32_0 = arith.constant 0 : i32
    %c0_i32_1 = arith.constant 0 : i32
    return %c0_i32, %c0_i32_0 : i32, i32
  }
  func.func @transform_4(%arg0: i32) -> (i32, i32) {
    %c0_i32 = arith.constant 0 : i32
    %c0_i32_0 = arith.constant 0 : i32
    return %arg0, %c0_i32 : i32, i32
  }
  func.func @transform_5(%arg0: i32) -> (i32, i32, i32) {
    %c0_i32 = arith.constant 0 : i32
    %c0_i32_0 = arith.constant 0 : i32
    %c0_i32_1 = arith.constant 0 : i32
    return %arg0, %c0_i32, %c0_i32_0 : i32, i32, i32
  }
}

module attributes {stable_mosaic.version = 14 : i64} {
  func.func @_d3_body(%arg0: i32, %arg1: i32, %arg2: memref<1024x16xf32, #tpu.memory_space<vmem>>, %arg3: memref<16x16xf32, #tpu.memory_space<vmem>>, %arg4: memref<1x16xf32, #tpu.memory_space<vmem>>, %arg5: memref<8x128xf32, #tpu.memory_space<vmem>>, %arg6: memref<1x16x1024xf32, #tpu.memory_space<vmem>>) attributes {dimension_semantics = [#tpu.dimension_semantics<arbitrary>, #tpu.dimension_semantics<arbitrary>], iteration_bounds = array<i64: 2, 2>, scalar_prefetch = 0 : i64, scratch_operands = 0 : i64, tpu.core_type = #tpu.core_type<tc>, window_params = [{transform_indices = @transform_0, window_bounds = array<i64: 1024, 16>}, {pipeline_mode = #tpu.pipeline_mode<synchronous>, transform_indices = @transform_1, window_bounds = array<i64: 16, 16>}, {pipeline_mode = #tpu.pipeline_mode<synchronous>, transform_indices = @transform_2, window_bounds = array<i64: 1, 16>}, {pipeline_mode = #tpu.pipeline_mode<synchronous>, transform_indices = @transform_3, window_bounds = array<i64: 8, 128>}, {transform_indices = @transform_4, window_bounds = array<i64: 1, 16, 1024>}]} {
    %get3A = arith.constant 0 : index
    %get3A_0 = arith.constant 0 : index
    %get3A_1 = vector.load %arg5[%get3A, %get3A_0] : memref<8x128xf32, #tpu.memory_space<vmem>>, vector<1x1xf32>
    %get3A_2 = arith.constant 1 : index
    %get3A_3 = arith.constant 0 : index
    %get3A_4 = vector.load %arg5[%get3A_2, %get3A_3] : memref<8x128xf32, #tpu.memory_space<vmem>>, vector<1x1xf32>
    %get3A_5 = arith.constant 0 : index
    %get3A_6 = arith.constant 0 : index
    %get3A_7 = vector.load %arg2[%get3A_5, %get3A_6] : memref<1024x16xf32, #tpu.memory_space<vmem>>, vector<1024x16xf32>
    %mul3A = vector.broadcast %get3A_1 : vector<1x1xf32> to vector<1024x16xf32>
    %mul3A_8 = arith.mulf %get3A_7, %mul3A : vector<1024x16xf32>
    %add3A = vector.broadcast %get3A_4 : vector<1x1xf32> to vector<1024x16xf32>
    %add3A_9 = arith.addf %mul3A_8, %add3A : vector<1024x16xf32>
    %ge3A = arith.constant 0.000000e+00 : f32
    %ge3A_10 = vector.broadcast %ge3A : f32 to vector<1024x16xf32>
    %ge3A_11 = arith.cmpf oge, %add3A_9, %ge3A_10 : vector<1024x16xf32>
    %mul3A_12 = arith.constant 1.000000e-01 : f32
    %mul3A_13 = vector.broadcast %mul3A_12 : f32 to vector<1024x16xf32>
    %mul3A_14 = arith.mulf %mul3A_13, %add3A_9 : vector<1024x16xf32>
    %select_n3A = arith.select %ge3A_11, %add3A_9, %mul3A_14 : vector<1024x16xi1>, vector<1024x16xf32>
    %convert_element_type3A = arith.truncf %select_n3A : vector<1024x16xf32> to vector<1024x16xbf16>
    %convert_element_type3A_15 = arith.extf %convert_element_type3A : vector<1024x16xbf16> to vector<1024x16xf32>
    %get3A_16 = arith.constant 0 : index
    %get3A_17 = arith.constant 0 : index
    %get3A_18 = vector.load %arg3[%get3A_16, %get3A_17] : memref<16x16xf32, #tpu.memory_space<vmem>>, vector<16x16xf32>
    %convert_element_type3A_19 = arith.truncf %get3A_18 : vector<16x16xf32> to vector<16x16xbf16>
    %convert_element_type3A_20 = arith.extf %convert_element_type3A_19 : vector<16x16xbf16> to vector<16x16xf32>
    %dot_general3A = arith.constant dense<0.000000e+00> : vector<1024x16xf32>
    %dot_general3A_21 = tpu.matmul %convert_element_type3A_15, %convert_element_type3A_20, %dot_general3A {dimension_numbers = #tpu.dot_dimension_numbers<[1], [1], [0], [0], [0, 0, 1, 0], [], []>, precision = #tpu.contract_precision<fp32>, transpose_lhs_hint = false} : vector<1024x16xf32>, vector<16x16xf32>, vector<1024x16xf32> -> vector<1024x16xf32>
    %get3A_22 = arith.constant 0 : index
    %get3A_23 = arith.constant 0 : index
    %get3A_24 = vector.load %arg4[%get3A_22, %get3A_23] : memref<1x16xf32, #tpu.memory_space<vmem>>, vector<1x16xf32>
    %add3A_25 = vector.broadcast %get3A_24 : vector<1x16xf32> to vector<1024x16xf32>
    %add3A_26 = arith.addf %dot_general3A_21, %add3A_25 : vector<1024x16xf32>
    %ge3A_27 = arith.constant 0.000000e+00 : f32
    %ge3A_28 = vector.broadcast %ge3A_27 : f32 to vector<1024x16xf32>
    %ge3A_29 = arith.cmpf oge, %add3A_26, %ge3A_28 : vector<1024x16xf32>
    %mul3A_30 = arith.constant 1.000000e-01 : f32
    %mul3A_31 = vector.broadcast %mul3A_30 : f32 to vector<1024x16xf32>
    %mul3A_32 = arith.mulf %mul3A_31, %add3A_26 : vector<1024x16xf32>
    %select_n3A_33 = arith.select %ge3A_29, %add3A_26, %mul3A_32 : vector<1024x16xi1>, vector<1024x16xf32>
    %transpose3A = tpu.transpose %select_n3A_33, [1, 0] : vector<1024x16xf32> -> vector<16x1024xf32>
    %swap3A = arith.constant 0 : index
    %swap3A_34 = arith.constant 0 : index
    %swap3A_35 = arith.constant 0 : index
    %swap3A_36 = vector.load %arg6[%swap3A, %swap3A_34, %swap3A_35] : memref<1x16x1024xf32, #tpu.memory_space<vmem>>, vector<1x16x1024xf32>
    %swap3A_37 = vector.shape_cast %swap3A_36 : vector<1x16x1024xf32> to vector<16x1024xf32>
    %swap3A_38 = vector.shape_cast %transpose3A : vector<16x1024xf32> to vector<1x16x1024xf32>
    tpu.vector_store %arg6[%swap3A, %swap3A_34, %swap3A_35], %swap3A_38 {strides = array<i32>} : memref<1x16x1024xf32, #tpu.memory_space<vmem>>, vector<1x16x1024xf32>,
    return
  }
  func.func @transform_0(%arg0: i32, %arg1: i32) -> (i32, i32) {
    %mul3A = arith.constant 2 : i32
    %mul3A_0 = arith.muli %arg0, %mul3A : i32
    %add3A = arith.addi %mul3A_0, %arg1 : i32
    %c0_i32 = arith.constant 0 : i32
    %c0_i32_1 = arith.constant 0 : i32
    return %add3A, %c0_i32 : i32, i32
  }
  func.func @transform_1(%arg0: i32, %arg1: i32) -> (i32, i32) {
    %c0_i32 = arith.constant 0 : i32
    %c0_i32_0 = arith.constant 0 : i32
    %c0_i32_1 = arith.constant 0 : i32
    return %c0_i32, %c0_i32_0 : i32, i32
  }
  func.func @transform_2(%arg0: i32, %arg1: i32) -> (i32, i32) {
    %c0_i32 = arith.constant 0 : i32
    %c0_i32_0 = arith.constant 0 : i32
    %c0_i32_1 = arith.constant 0 : i32
    return %c0_i32, %c0_i32_0 : i32, i32
  }
  func.func @transform_3(%arg0: i32, %arg1: i32) -> (i32, i32) {
    %c0_i32 = arith.constant 0 : i32
    %c0_i32_0 = arith.constant 0 : i32
    %c0_i32_1 = arith.constant 0 : i32
    return %c0_i32, %c0_i32_0 : i32, i32
  }
  func.func @transform_4(%arg0: i32, %arg1: i32) -> (i32, i32, i32) {
    %c0_i32 = arith.constant 0 : i32
    %c0_i32_0 = arith.constant 0 : i32
    return %arg0, %c0_i32, %arg1 : i32, i32, i32
  }
}

</mosaic_0001>

<sc_bundles>
// kernel: kernel.8.cloned.1.call-start
scs
__scs_entry_jumppad:
0x0: {  	(pc) =	sbr.rel $0x88, $3  }
0x1: {  	(tag) =	ssettag $0x0;
	lr =	simm.s32 $0x1  }
0x2: {  	[smem:$0x3F97] =	sst lr;
	_ =	strace $0xD0000000  }
0x3: {  	_ = 	snop  }
0x4: {  	_ = 	snop  }
0x5: {  	_ = 	snop  }
0x6: {  	_ = 	snop  }
0x7: {  	_ = 	snop  }
__scs_overlays_trampoline_lowered:
0x8: {  	[smem:$0x3FA6] =	sst s0  }
0x9: {  	[smem:$0x3FA7] =	sst s1  }
0xa: {  	[smem:$0x3FA8] =	sst s2  }
0xb: {  	[smem:$0x3FA9] =	sst s3  }
0xc: {  	[smem:$0x3FAA] =	sst s4  }
0xd: {  	[smem:$0x3FAB] =	sst s5  }
0xe: {  	[smem:$0x3FAC] =	sst s6  }
0xf: {  	[smem:$0x3FAD] =	sst s7  }
0x10: {  	[smem:$0x3FAE] =	sst s8  }
0x11: {  	[smem:$0x3FAF] =	sst s9;
	s0 =	simm.s32 @!p0 $0x0  }
0x12: {  	s1 =	sld [smem:$0x3F95];
	s0 =	simm.s32 @p0 $0x1  }
0x13: {  	[smem:$0x3FB0] =	sst s0;
	s0 =	simm.s32 @!p1 $0x0  }
0x14: {  	s2 =	sld [smem:$0x3F94];
	s0 =	simm.s32 @p1 $0x1  }
0x15: {  	[smem:$0x3FB1] =	sst s0;
	s0 =	simm.s32 @!p2 $0x0  }
0x16: {  	s3 =	sld [smem:$0x3FDB];
	s0 =	simm.s32 @p2 $0x1  }
0x17: {  	s4 =	simm.s32 $0x1BF5;
	[smem:$0x3FB3] =	sst s0  }
0x18: {  	s0 =	sld [smem:$0x3F96];
	_ =	swait.ge [sflag:s4], $0x0  }
0x19: {  	s7 =	sld [smem:$0x3F97]  }
0x1a: {  	s8 =	sadd.s32 $0xFFFFE003, lr  }
0x1b: {  	s9 =	sadd.s32 $0xFFFFFEF7, lr;
	s5 =	simm.s32 $0xFFFFFFFF;
	p2 =	slt.u32 s8, $0xFFFFF086  }
0x1c: {  	p1 =	slt.u32 s9, $0xF7A;
	s5 =	simm.s32 @!p2 $0x0  }
0x1d: {  	s5 =	simm.s32 @p1 $0x1;
	p0 =	seq.s32 s7, s2  }
0x1e: {  	s7 =	smul.u32 @!p0 $0xF7A, s2;
	p2 =	seq.s32 @!p0 s5, $0x0  }
0x1f: {  	s9 =	smul.u32 $0xF7A, s1;
	s8 =	simm.s32 @!p0 $0x1BF5;
	p2 =	por !p2, p0  }
0x20: {  	[sflag:s8] =	ssyncset.s32 @!p0 $0xFFFFF086;
	s6 =	sadd.s32 @!p0 s3, s7;
	s7 =	simm.s32 @!p0 $0x108  }
0x21: {  	s3 =	sadd.s32 s3, s9;
	s6 =	sadd.s32 @!p0 $0x88, s6;
	s7 =	simm.s32 @p2 $0x1082  }
0x22: {  	[simem:s7], [sflag:s8] =	dma.local @!p0 [hbm:s6], $0xF7A  }
0x23: {  	s9 =	sor.u32 $0xD0000000, s2;
	s6 =	simm.s32 $0x108;
	_ =	swait.ge @!p0 [sflag:s8], $0x0  }
0x24: {  	s3 =	sadd.s32 $0x88, s3;
	s6 =	simm.s32 @!p1 $0x1082;
	[sflag:s4] =	ssyncset.s32 $0xFFFFF086  }
0x25: {  	[simem:s6], [sflag:s4] =	dma.local [hbm:s3], $0xF7A  }
0x26: {  	[smem:$0x3F97] =	sst s1;
	(tag) =	ssettag s2;
	_ =	strace s9  }
0x27: {  	s1 =	sld [smem:$0x3FA7]  }
0x28: {  	s2 =	sld [smem:$0x3FA8]  }
0x29: {  	s4 =	sld [smem:$0x3FAA]  }
0x2a: {  	p0 =	seq.s32 s5, $0x0;
	s5 =	sld [smem:$0x3FAB]  }
0x2b: {  	s6 =	sld [smem:$0x3FAC]  }
0x2c: {  	s7 =	sld [smem:$0x3FAD]  }
0x2d: {  	s3 =	simm.s32 $0x108;
	s8 =	sld [smem:$0x3FAE]  }
0x2e: {  	s3 =	simm.s32 @!p0 $0x1082;
	s9 =	sld [smem:$0x3FAF]  }
0x2f: {  	lr =	sadd.s32 s0, s3;
	s0 =	sld [smem:$0x3FA6]  }
0x30: {  	s3 =	sld [smem:$0x3FA9]  }
0x31: {  	[smem:$0x3FB2] =	sst s10  }
0x32: {  	s10 =	sld [smem:$0x3FB0];
	_ =	sdelay $0x3  }
0x33: {  	p0 =	seq.s32 s10, $0x1;
	s10 =	sld [smem:$0x3FB2];
	_ =	sdelay $0x3  }
0x34: {  	[smem:$0x3FB2] =	sst s10  }
0x35: {  	s10 =	sld [smem:$0x3FB1];
	_ =	sdelay $0x3  }
0x36: {  	p1 =	seq.s32 s10, $0x1;
	s10 =	sld [smem:$0x3FB2];
	_ =	sdelay $0x3  }
0x37: {  	[smem:$0x3FB2] =	sst s10  }
0x38: {  	s10 =	sld [smem:$0x3FB3]  }
0x39: {  	_ = 	snop;
	(pc) =	sbr.ind lr, $3  }
0x3a: {  	_ = 	snop  }
0x3b: {  	_ = 	snop  }
0x3c: {  	p2 =	seq.s32 s10, $0x1;
	s10 =	sld [smem:$0x3FB2]  }
0x3d: {  	_ =	shalt  }
0x3e: {  	_ =	shalt  }
0x3f: {  	_ =	shalt  }
0x40: {  	_ =	shalt  }
0x41: {  	_ =	shalt  }
0x42: {  	_ =	shalt  }
0x43: {  	_ =	shalt  }
0x44: {  	_ =	shalt  }
0x45: {  	_ =	shalt  }
0x46: {  	_ =	shalt  }
0x47: {  	_ =	shalt  }
0x48: {  	_ =	shalt  }
0x49: {  	_ =	shalt  }
0x4a: {  	_ =	shalt  }
0x4b: {  	_ =	shalt  }
0x4c: {  	_ =	shalt  }
0x4d: {  	_ =	shalt  }
0x4e: {  	_ =	shalt  }
0x4f: {  	_ =	shalt  }
0x50: {  	_ =	shalt  }
0x51: {  	_ =	shalt  }
0x52: {  	_ =	shalt  }
0x53: {  	_ =	shalt  }
0x54: {  	_ =	shalt  }
0x55: {  	_ =	shalt  }
0x56: {  	_ =	shalt  }
0x57: {  	_ =	shalt  }
0x58: {  	_ =	shalt  }
0x59: {  	_ =	shalt  }
0x5a: {  	_ =	shalt  }
0x5b: {  	_ =	shalt  }
0x5c: {  	_ =	shalt  }
0x5d: {  	_ =	shalt  }
0x5e: {  	_ =	shalt  }
0x5f: {  	_ =	shalt  }
0x60: {  	_ =	shalt  }
0x61: {  	_ =	shalt  }
0x62: {  	_ =	shalt  }
0x63: {  	_ =	shalt  }
0x64: {  	_ =	shalt  }
0x65: {  	_ =	shalt  }
0x66: {  	_ =	shalt  }
0x67: {  	_ =	shalt  }
0x68: {  	_ =	shalt  }
0x69: {  	_ =	shalt  }
0x6a: {  	_ =	shalt  }
0x6b: {  	_ =	shalt  }
0x6c: {  	_ =	shalt  }
0x6d: {  	_ =	shalt  }
0x6e: {  	_ =	shalt  }
0x6f: {  	_ =	shalt  }
0x70: {  	_ =	shalt  }
0x71: {  	_ =	shalt  }
0x72: {  	_ =	shalt  }
0x73: {  	_ =	shalt  }
0x74: {  	_ =	shalt  }
0x75: {  	_ =	shalt  }
0x76: {  	_ =	shalt  }
0x77: {  	_ =	shalt  }
0x78: {  	_ =	shalt  }
0x79: {  	_ =	shalt  }
0x7a: {  	_ =	shalt  }
0x7b: {  	_ =	shalt  }
0x7c: {  	_ =	shalt  }
0x7d: {  	_ =	shalt  }
0x7e: {  	_ =	shalt  }
0x7f: {  	_ =	shalt  }
0x80: {  	_ =	shalt  }
0x81: {  	_ =	shalt  }
0x82: {  	_ =	shalt  }
0x83: {  	_ =	shalt  }
0x84: {  	_ =	shalt  }
0x85: {  	_ =	shalt  }
0x86: {  	_ =	shalt  }
0x87: {  	_ =	shalt  }
.Lfunc_end0:
.L_simem_size_0:
called_computation_lowered:
.L_overlay_start_0:
0x88: {  	s2 =	sld [smem:$0x3FD9]  }
0x89: {  	s3 =	sld [smem:$0x3FFE];
	_ =	sdelay $0x1  }
0x8a: {  	s1 =	srdreg.scid  }
0x8b: {  	s0 =	sand.u32 $0x1, s1  }
0x8c: {  	s14 =	sshll.u32 s0, $0xA;
	s2 =	sadd.s32 s3, s2  }
0x8d: {  	s2 =	sadd.s32 s2, s14  }
0x8e: {  	[smem:$0x3FBE] =	sst s2  }
0x8f: {  	_ = 	snop  }
0x90: {  	s2 =	sld [smem:$0x3FD0];
	_ =	sdelay $0x2  }
0x91: {  	s15 =	simm.s32 $0xA;
	s4 =	simm.s32 $0x10  }
0x92: {  	[smem:s4], [sflag:s15] =	dma.local [hbm:s2], $0x1  }
0x93: {  	_ =	swait.eq [sflag:s15], $0x1  }
0x94: {  	[sflag:s15] =	ssyncset.done $0x0  }
0x95: {  	[sflag:s15] =	ssyncadd.s32 $0xFFFFFFFF  }
0x96: {  	s16 =	sld [smem:$0x11];
	(tm) =	ssettm $0x1  }
0x97: {  	s17 =	sld [smem:$0x3FFB];
	_ =	sdelay $0x3  }
0x98: {  	_ =	strace s17  }
0x99: {  	s3 =	sld [smem:$0x3FFC];
	_ =	sdelay $0x3  }
0x9a: {  	_ =	strace s3  }
0x9b: {  	s3 =	sld [smem:$0x3FFD];
	_ =	sdelay $0x3  }
0x9c: {  	_ =	strace s3  }
0x9d: {  	_ =	strace $0x8FFFFFFF  }
0x9e: {  	s18 =	sld [smem:$0x3FDB];
	_ =	sdelay $0x1  }
0x9f: {  	s19 =	simm.s32 $_scs_section_size  }
0xa0: {  	s5 =	simm.s32 $_size__tile_overlayer_lowered;
	s6 =	simm.s32 $_tile_overlayer_lowered  }
0xa1: {  	s22 =	simm.s32 $0x1BFF;
	s21 =	sshll.u32 s6, $0x1;
	s3 =	sadd.s32 s19, s18  }
0xa2: {  	s7 =	simm.s32 $0x0;
	s20 =	sshll.u32 s5, $0x1;
	s5 =	sadd.s32 s21, s3  }
0xa3: {  	[timem:s7], [sflag:s22] =	dma.local [hbm:s5], s20  }
0xa4: {  	_ =	swait.ge [sflag:s22], s20  }
0xa5: {  	s4 =	ssub.s32 $0x0, s20;
	[sflag:s22] =	ssyncset.done $0x0  }
0xa6: {  	[sflag:s22] =	ssyncadd.s32 s4;
	_ =	sdelay $0x1  }
0xa7: {  	s23 =	simm.s32 $0x1B8B  }
0xa8: {  	_ =	swait.ge [sflag:s23], $0x1  }
0xa9: {  	[sflag:s23] =	ssyncset.done $0x0  }
0xaa: {  	s25 =	simm.s32 $0x1B8E;
	s24 =	sld [smem:$0x3FFE];
	[sflag:s23] =	ssyncadd.s32 $0xFFFFFFFF  }
0xab: {  	s26 =	simm.s32 $execute0_lowered;
	[smem:$0x3FD2] =	sst s25  }
0xac: {  	s5 =	sshll.u32 s26, $0x1;
	_ =	strace $0x80000046;
	[dreg:$0x1] =	wrdreg $0xFFFFFFFF  }
0xad: {  	s28 =	simm.s32 $_size_execute0_lowered;
	s3 =	sadd.s32 s3, s5;
	[dreg:$0x0] =	wrdreg $0x0  }
0xae: {  	s5 =	sshll.u32 s28, $0x1;
	[dreg:$0x2] =	wrdreg s3  }
0xaf: {  	[dreg:$0x3] =	wrdreg s5  }
0xb0: {  	[dreg:$0x4] =	wrdreg $0xC0  }
0xb1: {  	_ =	task [dreg:s7], $0x5FFFF  }
0xb2: {  	[dreg:$0x1] =	wrdreg $0xFFFFFFFF  }
0xb3: {  	[dreg:$0x0] =	wrdreg $0x60  }
0xb4: {  	[dreg:$0x2] =	wrdreg s16  }
0xb5: {  	[dreg:$0x3] =	wrdreg s24  }
0xb6: {  	[dreg:$0x4] =	wrdreg $0x9  }
0xb7: {  	_ =	task.clear_ibuf [dreg:s7], $0x5FFFF;
	_ =	strace $0x90000046  }
0xb8: {  	s29 =	simm.s32 $0x9;
	_ =	strace $0x80000048  }
0xb9: {  	_ =	swait.ge [sflag:s29], $0x1  }
0xba: {  	[sflag:s29] =	ssyncadd.s32 $0xFFFFFFFF  }
0xbb: {  	_ =	strace $0x90000048  }
0xbc: {  	_ =	sfence  }
0xbd: {  	s30 =	sld [smem:$0x0];
	_ =	sdelay $0x2  }
0xbe: {  	s31 =	sshll.u32 s1, $0xD;
	s1 =	sshrl.u32 s1, $0x2  }
0xbf: {  	s3 =	sand.u32 $0x4000, s31;
	s1 =	sadd.s32 s1, s30  }
0xc0: {  	s0 =	sor.u32 s3, s0;
	s1 =	sshll.u32 s1, $0x11  }
0xc1: {  	s0 =	sor.u32 s1, s0  }
0xc2: {  	s0 =	sadd.s32 $0x8F2B, s0  }
0xc3: {  	[sflag:s0] =	ssyncadd.remote.s32 $0x1  }
0xc4: {  	_ =	sfence.sel $0xFFFF  }
0xc5: {  	[dreg:$0x0] =	wrdreg $0xFFFFFFFF;
	(pc) =	sbr.abs _section_cstart, $3  }
0xc6: {  	[dreg:$0x1] =	wrdreg $0xFFFFFFFF  }
0xc7: {  	_ =	task.clear_ibuf [dreg:s7], $0x2FFFF;
	_ =	strace $0x9FFFFFFF  }
0xc8: {  	(tm) =	ssettm $0x7FFFFFFF  }
0xc9: {  	_ =	shalt  }
tec
execute0_lowered:
.L_overlay_start_1:
0x0: {  	(tag) =	ssettag $0x1  }
0x1: {  	s1 =	srdreg.scid  }
0x2: {  	s3 =	rddreg [dreg:$0x0];
	s0 =	stileid.u32  }
0x3: {  	s4 =	rddreg [dreg:$0x1];
	s2 =	simm.s32 $0x0;
	s20 =	simm.s32 $0x1000  }
0x4: {  	s21 =	simm.s32 $0x100;
	s23 =	simm.s32 $0x1800;
	s24 =	simm.s32 $0x180  }
0x5: {  	s25 =	simm.s32 $0x2000;
	s26 =	simm.s32 $0x200;
	s7 =	simm.s32 $0x80  }
0x6: {  	s11 =	simm.s32 $0x300;
	s12 =	simm.s32 $0x3800;
	s13 =	simm.s32 $0x380  }
0x7: {  	s14 =	simm.s32 $0x4000;
	s15 =	simm.s32 $0x400;
	s16 =	simm.s32 $0x4800  }
0x8: {  	s17 =	simm.s32 $0x480;
	s18 =	simm.s32 $0x5000;
	[smem:$0x7FF] =	sst s2  }
0x9: {  	p0 =	por $0x0, $0x0;
	_ =	strace $0x80000047;
	[dreg:$0x5] =	wrdreg s20  }
0xa: {  	s28 =	simm.s32 $0x700;
	s29 =	simm.s32 $0x7800;
	[dreg:$0x6] =	wrdreg s21  }
0xb: {  	s30 =	simm.s32 $0x780;
	s31 =	simm.s32 $0x8000;
	[dreg:$0x7] =	wrdreg s23  }
0xc: {  	s1 =	sand.u32 $0x1, s1;
	s5 =	sshll.u32 s0, $0x5;
	[dreg:$0x8] =	wrdreg s24  }
0xd: {  	s6 =	sshll.u32 s1, $0x4;
	s1 =	ssub.s32 $0x2, s1;
	[dreg:$0x9] =	wrdreg s25  }
0xe: {  	[dreg:$0xa] =	wrdreg s26;
	s20 =	simm.s32 $0x5800;
	s22 =	sshrl.u32 s1, $0x1  }
0xf: {  	s21 =	simm.s32 $0x580;
	s23 =	simm.s32 $0x600;
	s1 =	ssub.s32 s1, s22  }
0x10: {  	s24 =	simm.s32 $0x6800;
	s25 =	simm.s32 $0x680;
	s1 =	smax.u32 s1, $0x1  }
0x11: {  	s26 =	simm.s32 $0x7000;
	s5 =	sor.u32 s6, s5;
	p1 =	sne.s32 s1, $0x1  }
.Ltmp0:
0x12: {  	s6 =	sshll.u32 s5, $0x8;
	s5 =	sshll.u32 s5, $0x4;
	(pc) =	sbr.rel @!p1 .LBB2_3-.Ltmp0, $4  }
0x13: {  	s22 =	simm.s32 $0x6000;
	s6 =	sadd.s32 s6, s4;
	s3 =	sadd.s32 s3, s5  }
0x14: {  	s5 =	simm.s32 $0x1;
	[dreg:$0x3] =	wrdreg s3;
	s19 =	sadd.s32 $0x8E00, s6  }
0x15: {  	s6 =	sadd.s32 $0xE00, s4;
	s3 =	simm.s32 $0x2;
	s4 =	simm.s32 $0x800  }
0x16: {  	s8 =	sadd.s32 $0xFFFFFFFF, s1;
	[dreg:$0x4] =	wrdreg s19;
	s19 =	simm.s32 $0x500  }
0x17: {  	s0 =	rddreg [dreg:$0x3]  }
0x18: {  	[tilespmem:s2], [sflag:$0x2] =	stream.linear.gather [hbm4b:s0+s2], $0x800, $0x38;
	[tilespmem:$0x8800] =	vst v63  }
0x19: {  	_ =	swait.ge [sflag:s3], $0x800  }
0x1a: {  	s10 =	rddreg [dreg:$0x6]  }
0x1b: {  	s1 =	rddreg [dreg:$0x5]  }
0x1c: {  	s0 =	rddreg [dreg:$0x7]  }
0x1d: {  	[sflag:s3] =	ssyncset.done $0x0;
	[dreg:$0xb] =	wrdreg s10  }
0x1e: {  	[sflag:s3] =	ssyncadd.s32 $0xFFFFF800;
	s10 =	rddreg [dreg:$0x9]  }
0x1f: {  	[tilespmem:s4], [sflag:$0x1] =	stream.indirect.gather [hbm4b:s6+s7], $0x10, s2, s7, $0xb8;
	[tilespmem:$0x8800] =	vst v63  }
0x20: {  	[dreg:$0xc] =	wrdreg s10  }
0x21: {  	s10 =	rddreg [dreg:$0xb]  }
0x22: {  	[tilespmem:s1], [sflag:$0x1] =	stream.indirect.gather [hbm4b:s6+s7], $0x10, s7, s7, $0xb8;
	[tilespmem:$0x8800] =	vst v63  }
0x23: {  	s1 =	rddreg [dreg:$0x8]  }
0x24: {  	[tilespmem:s0], [sflag:$0x1] =	stream.indirect.gather [hbm4b:s6+s7], $0x10, s10, s7, $0xb8;
	[tilespmem:$0x8800] =	vst v63  }
0x25: {  	s10 =	rddreg [dreg:$0xc]  }
0x26: {  	[tilespmem:s10], [sflag:$0x1] =	stream.indirect.gather [hbm4b:s6+s7], $0x10, s1, s7, $0xb8;
	[tilespmem:$0x8800] =	vst v63  }
0x27: {  	s9 =	simm.s32 $0x2800;
	s0 =	rddreg [dreg:$0xa]  }
0x28: {  	[tilespmem:s9], [sflag:$0x1] =	stream.indirect.gather [hbm4b:s6+s7], $0x10, s0, s7, $0xb8;
	[tilespmem:$0x8800] =	vst v63  }
0x29: {  	s1 =	simm.s32 $0x280;
	s9 =	simm.s32 $0x3000  }
0x2a: {  	[tilespmem:s9], [sflag:$0x1] =	stream.indirect.gather [hbm4b:s6+s7], $0x10, s1, s7, $0xb8;
	[tilespmem:$0x8800] =	vst v63  }
0x2b: {  	_ = 	snop  }
0x2c: {  	[tilespmem:s12], [sflag:$0x1] =	stream.indirect.gather [hbm4b:s6+s7], $0x10, s11, s7, $0xb8;
	[tilespmem:$0x8800] =	vst v63  }
0x2d: {  	_ = 	snop  }
0x2e: {  	[tilespmem:s14], [sflag:$0x1] =	stream.indirect.gather [hbm4b:s6+s7], $0x10, s13, s7, $0xb8;
	[tilespmem:$0x8800] =	vst v63  }
0x2f: {  	_ = 	snop  }
0x30: {  	[tilespmem:s16], [sflag:$0x1] =	stream.indirect.gather [hbm4b:s6+s7], $0x10, s15, s7, $0xb8;
	[tilespmem:$0x8800] =	vst v63  }
0x31: {  	_ = 	snop  }
0x32: {  	[tilespmem:s18], [sflag:$0x1] =	stream.indirect.gather [hbm4b:s6+s7], $0x10, s17, s7, $0xb8;
	[tilespmem:$0x8800] =	vst v63  }
0x33: {  	_ = 	snop  }
0x34: {  	[tilespmem:s20], [sflag:$0x1] =	stream.indirect.gather [hbm4b:s6+s7], $0x10, s19, s7, $0xb8;
	[tilespmem:$0x8800] =	vst v63  }
0x35: {  	_ = 	snop  }
0x36: {  	[tilespmem:s22], [sflag:$0x1] =	stream.indirect.gather [hbm4b:s6+s7], $0x10, s21, s7, $0xb8;
	[tilespmem:$0x8800] =	vst v63  }
0x37: {  	_ = 	snop  }
0x38: {  	[tilespmem:s24], [sflag:$0x1] =	stream.indirect.gather [hbm4b:s6+s7], $0x10, s23, s7, $0xb8;
	[tilespmem:$0x8800] =	vst v63  }
0x39: {  	_ = 	snop  }
0x3a: {  	[tilespmem:s26], [sflag:$0x1] =	stream.indirect.gather [hbm4b:s6+s7], $0x10, s25, s7, $0xb8;
	[tilespmem:$0x8800] =	vst v63  }
0x3b: {  	_ = 	snop  }
0x3c: {  	[tilespmem:s29], [sflag:$0x1] =	stream.indirect.gather [hbm4b:s6+s7], $0x10, s28, s7, $0xb8;
	[tilespmem:$0x8800] =	vst v63  }
0x3d: {  	_ = 	snop  }
0x3e: {  	[tilespmem:s31], [sflag:$0x1] =	stream.indirect.gather [hbm4b:s6+s7], $0x10, s30, s7, $0xb8;
	[tilespmem:$0x8800] =	vst v63  }
0x3f: {  	_ =	swait.ge [sflag:s5], $0x800  }
0x40: {  	[sflag:s5] =	ssyncset.done $0x0  }
0x41: {  	[sflag:s5] =	ssyncadd.s32 $0xFFFFF800  }
0x42: {  	_ =	swait.ge [sflag:s5], $0x800  }
0x43: {  	[sflag:s5] =	ssyncset.done $0x0  }
0x44: {  	[sflag:s5] =	ssyncadd.s32 $0xFFFFF800  }
0x45: {  	_ =	swait.ge [sflag:s5], $0x800  }
0x46: {  	[sflag:s5] =	ssyncset.done $0x0  }
0x47: {  	[sflag:s5] =	ssyncadd.s32 $0xFFFFF800  }
0x48: {  	_ =	swait.ge [sflag:s5], $0x800  }
0x49: {  	[sflag:s5] =	ssyncset.done $0x0  }
0x4a: {  	[sflag:s5] =	ssyncadd.s32 $0xFFFFF800  }
0x4b: {  	_ =	swait.ge [sflag:s5], $0x800  }
0x4c: {  	[sflag:s5] =	ssyncset.done $0x0  }
0x4d: {  	[sflag:s5] =	ssyncadd.s32 $0xFFFFF800  }
0x4e: {  	_ =	swait.ge [sflag:s5], $0x800  }
0x4f: {  	[sflag:s5] =	ssyncset.done $0x0  }
0x50: {  	[sflag:s5] =	ssyncadd.s32 $0xFFFFF800  }
0x51: {  	_ =	swait.ge [sflag:s5], $0x800  }
0x52: {  	[sflag:s5] =	ssyncset.done $0x0  }
0x53: {  	[sflag:s5] =	ssyncadd.s32 $0xFFFFF800  }
0x54: {  	_ =	swait.ge [sflag:s5], $0x800  }
0x55: {  	[sflag:s5] =	ssyncset.done $0x0  }
0x56: {  	[sflag:s5] =	ssyncadd.s32 $0xFFFFF800  }
0x57: {  	_ =	swait.ge [sflag:s5], $0x800  }
0x58: {  	[sflag:s5] =	ssyncset.done $0x0  }
0x59: {  	[sflag:s5] =	ssyncadd.s32 $0xFFFFF800  }
0x5a: {  	_ =	swait.ge [sflag:s5], $0x800  }
0x5b: {  	[sflag:s5] =	ssyncset.done $0x0  }
0x5c: {  	[sflag:s5] =	ssyncadd.s32 $0xFFFFF800  }
0x5d: {  	_ =	swait.ge [sflag:s5], $0x800  }
0x5e: {  	[sflag:s5] =	ssyncset.done $0x0  }
0x5f: {  	[sflag:s5] =	ssyncadd.s32 $0xFFFFF800  }
0x60: {  	_ =	swait.ge [sflag:s5], $0x800  }
0x61: {  	[sflag:s5] =	ssyncset.done $0x0  }
0x62: {  	[sflag:s5] =	ssyncadd.s32 $0xFFFFF800  }
0x63: {  	_ =	swait.ge [sflag:s5], $0x800  }
0x64: {  	[sflag:s5] =	ssyncset.done $0x0  }
0x65: {  	[sflag:s5] =	ssyncadd.s32 $0xFFFFF800  }
0x66: {  	_ =	swait.ge [sflag:s5], $0x800  }
0x67: {  	[sflag:s5] =	ssyncset.done $0x0  }
0x68: {  	[sflag:s5] =	ssyncadd.s32 $0xFFFFF800  }
0x69: {  	_ =	swait.ge [sflag:s5], $0x800  }
0x6a: {  	p1 =	sne.s32 s8, $0x1;
	[sflag:s5] =	ssyncset.done $0x0  }
.Ltmp1:
0x6b: {  	[sflag:s5] =	ssyncadd.s32 $0xFFFFF800;
	(pc) =	sbr.rel @!p1 .LBB2_3-.Ltmp1, $4  }
0x6c: {  	_ =	swait.ge [sflag:s5], $0x800  }
0x6d: {  	p0 =	por $0x1, $0x1;
	[sflag:s5] =	ssyncset.done $0x0  }
0x6e: {  	s1 =	sadd.s32 $0xFFFFFFFF, s8;
	s10 =	rddreg [dreg:$0x4];
	[sflag:s5] =	ssyncadd.s32 $0xFFFFF800  }
0x6f: {  	[hbm4b:s10+s2] =	stream.linear.scatter [tilespmem:s4], [sflag:$0x2], $0x8000, $0x38;
	[tilespmem:$0x8800] =	vst v63  }
.LBB2_2:
0x70: {  	_ =	swait.ge [sflag:s3], $0x8000  }
0x71: {  	[sflag:s3] =	ssyncset.done $0x0  }
0x72: {  	s0 =	rddreg [dreg:$0x3];
	[sflag:s3] =	ssyncadd.s32 $0xFFFF8000  }
0x73: {  	[tilespmem:s2], [sflag:$0x2] =	stream.linear.gather [hbm4b:s0+s2], $0x800, $0x38;
	[tilespmem:$0x8800] =	vst v63  }
0x74: {  	_ =	swait.ge [sflag:s3], $0x800  }
0x75: {  	s0 =	rddreg [dreg:$0x6];
	[sflag:s3] =	ssyncset.done $0x0  }
0x76: {  	s8 =	rddreg [dreg:$0x5];
	[sflag:s3] =	ssyncadd.s32 $0xFFFFF800  }
0x77: {  	[tilespmem:s4], [sflag:$0x1] =	stream.indirect.gather [hbm4b:s6+s7], $0x10, s2, s7, $0xb8;
	[tilespmem:$0x8800] =	vst v63  }
0x78: {  	s9 =	rddreg [dreg:$0x7]  }
0x79: {  	[tilespmem:s8], [sflag:$0x1] =	stream.indirect.gather [hbm4b:s6+s7], $0x10, s7, s7, $0xb8;
	[tilespmem:$0x8800] =	vst v63  }
0x7a: {  	s10 =	rddreg [dreg:$0x9]  }
0x7b: {  	[tilespmem:s9], [sflag:$0x1] =	stream.indirect.gather [hbm4b:s6+s7], $0x10, s0, s7, $0xb8;
	[tilespmem:$0x8800] =	vst v63  }
0x7c: {  	s8 =	rddreg [dreg:$0x8]  }
0x7d: {  	[tilespmem:s10], [sflag:$0x1] =	stream.indirect.gather [hbm4b:s6+s7], $0x10, s8, s7, $0xb8;
	[tilespmem:$0x8800] =	vst v63  }
0x7e: {  	s0 =	rddreg [dreg:$0xa];
	s8 =	simm.s32 $0x2800  }
0x7f: {  	[tilespmem:s8], [sflag:$0x1] =	stream.indirect.gather [hbm4b:s6+s7], $0x10, s0, s7, $0xb8;
	[tilespmem:$0x8800] =	vst v63  }
0x80: {  	s9 =	simm.s32 $0x280;
	s10 =	simm.s32 $0x3000  }
0x81: {  	[tilespmem:s10], [sflag:$0x1] =	stream.indirect.gather [hbm4b:s6+s7], $0x10, s9, s7, $0xb8;
	[tilespmem:$0x8800] =	vst v63  }
0x82: {  	_ = 	snop  }
0x83: {  	[tilespmem:s12], [sflag:$0x1] =	stream.indirect.gather [hbm4b:s6+s7], $0x10, s11, s7, $0xb8;
	[tilespmem:$0x8800] =	vst v63  }
0x84: {  	_ = 	snop  }
0x85: {  	[tilespmem:s14], [sflag:$0x1] =	stream.indirect.gather [hbm4b:s6+s7], $0x10, s13, s7, $0xb8;
	[tilespmem:$0x8800] =	vst v63  }
0x86: {  	_ = 	snop  }
0x87: {  	[tilespmem:s16], [sflag:$0x1] =	stream.indirect.gather [hbm4b:s6+s7], $0x10, s15, s7, $0xb8;
	[tilespmem:$0x8800] =	vst v63  }
0x88: {  	_ = 	snop  }
0x89: {  	[tilespmem:s18], [sflag:$0x1] =	stream.indirect.gather [hbm4b:s6+s7], $0x10, s17, s7, $0xb8;
	[tilespmem:$0x8800] =	vst v63  }
0x8a: {  	_ = 	snop  }
0x8b: {  	[tilespmem:s20], [sflag:$0x1] =	stream.indirect.gather [hbm4b:s6+s7], $0x10, s19, s7, $0xb8;
	[tilespmem:$0x8800] =	vst v63  }
0x8c: {  	_ = 	snop  }
0x8d: {  	[tilespmem:s22], [sflag:$0x1] =	stream.indirect.gather [hbm4b:s6+s7], $0x10, s21, s7, $0xb8;
	[tilespmem:$0x8800] =	vst v63  }
0x8e: {  	_ = 	snop  }
0x8f: {  	[tilespmem:s24], [sflag:$0x1] =	stream.indirect.gather [hbm4b:s6+s7], $0x10, s23, s7, $0xb8;
	[tilespmem:$0x8800] =	vst v63  }
0x90: {  	_ = 	snop  }
0x91: {  	[tilespmem:s26], [sflag:$0x1] =	stream.indirect.gather [hbm4b:s6+s7], $0x10, s25, s7, $0xb8;
	[tilespmem:$0x8800] =	vst v63  }
0x92: {  	_ = 	snop  }
0x93: {  	[tilespmem:s29], [sflag:$0x1] =	stream.indirect.gather [hbm4b:s6+s7], $0x10, s28, s7, $0xb8;
	[tilespmem:$0x8800] =	vst v63  }
0x94: {  	_ = 	snop  }
0x95: {  	[tilespmem:s31], [sflag:$0x1] =	stream.indirect.gather [hbm4b:s6+s7], $0x10, s30, s7, $0xb8;
	[tilespmem:$0x8800] =	vst v63  }
0x96: {  	_ =	swait.ge [sflag:s5], $0x800  }
0x97: {  	[sflag:s5] =	ssyncset.done $0x0  }
0x98: {  	[sflag:s5] =	ssyncadd.s32 $0xFFFFF800  }
0x99: {  	_ =	swait.ge [sflag:s5], $0x800  }
0x9a: {  	[sflag:s5] =	ssyncset.done $0x0  }
0x9b: {  	[sflag:s5] =	ssyncadd.s32 $0xFFFFF800  }
0x9c: {  	_ =	swait.ge [sflag:s5], $0x800  }
0x9d: {  	[sflag:s5] =	ssyncset.done $0x0  }
0x9e: {  	[sflag:s5] =	ssyncadd.s32 $0xFFFFF800  }
0x9f: {  	_ =	swait.ge [sflag:s5], $0x800  }
0xa0: {  	[sflag:s5] =	ssyncset.done $0x0  }
0xa1: {  	[sflag:s5] =	ssyncadd.s32 $0xFFFFF800  }
0xa2: {  	_ =	swait.ge [sflag:s5], $0x800  }
0xa3: {  	[sflag:s5] =	ssyncset.done $0x0  }
0xa4: {  	[sflag:s5] =	ssyncadd.s32 $0xFFFFF800  }
0xa5: {  	_ =	swait.ge [sflag:s5], $0x800  }
0xa6: {  	[sflag:s5] =	ssyncset.done $0x0  }
0xa7: {  	[sflag:s5] =	ssyncadd.s32 $0xFFFFF800  }
0xa8: {  	_ =	swait.ge [sflag:s5], $0x800  }
0xa9: {  	[sflag:s5] =	ssyncset.done $0x0  }
0xaa: {  	[sflag:s5] =	ssyncadd.s32 $0xFFFFF800  }
0xab: {  	_ =	swait.ge [sflag:s5], $0x800  }
0xac: {  	[sflag:s5] =	ssyncset.done $0x0  }
0xad: {  	[sflag:s5] =	ssyncadd.s32 $0xFFFFF800  }
0xae: {  	_ =	swait.ge [sflag:s5], $0x800  }
0xaf: {  	[sflag:s5] =	ssyncset.done $0x0  }
0xb0: {  	[sflag:s5] =	ssyncadd.s32 $0xFFFFF800  }
0xb1: {  	_ =	swait.ge [sflag:s5], $0x800  }
0xb2: {  	[sflag:s5] =	ssyncset.done $0x0  }
0xb3: {  	[sflag:s5] =	ssyncadd.s32 $0xFFFFF800  }
0xb4: {  	_ =	swait.ge [sflag:s5], $0x800  }
0xb5: {  	[sflag:s5] =	ssyncset.done $0x0  }
0xb6: {  	[sflag:s5] =	ssyncadd.s32 $0xFFFFF800  }
0xb7: {  	_ =	swait.ge [sflag:s5], $0x800  }
0xb8: {  	[sflag:s5] =	ssyncset.done $0x0  }
0xb9: {  	[sflag:s5] =	ssyncadd.s32 $0xFFFFF800  }
0xba: {  	_ =	swait.ge [sflag:s5], $0x800  }
0xbb: {  	[sflag:s5] =	ssyncset.done $0x0  }
0xbc: {  	[sflag:s5] =	ssyncadd.s32 $0xFFFFF800  }
0xbd: {  	_ =	swait.ge [sflag:s5], $0x800  }
0xbe: {  	[sflag:s5] =	ssyncset.done $0x0  }
0xbf: {  	[sflag:s5] =	ssyncadd.s32 $0xFFFFF800  }
0xc0: {  	_ =	swait.ge [sflag:s5], $0x800  }
0xc1: {  	p1 =	sne.s32 s1, $0x1;
	[sflag:s5] =	ssyncset.done $0x0  }
.Ltmp2:
0xc2: {  	[sflag:s5] =	ssyncadd.s32 $0xFFFFF800;
	(pc) =	sbr.rel @p1 .LBB2_2-.Ltmp2, $4  }
0xc3: {  	_ =	swait.ge [sflag:s5], $0x800  }
0xc4: {  	[sflag:s5] =	ssyncset.done $0x0  }
0xc5: {  	s1 =	sadd.s32 $0xFFFFFFFF, s1;
	s10 =	rddreg [dreg:$0x4];
	[sflag:s5] =	ssyncadd.s32 $0xFFFFF800  }
0xc6: {  	[hbm4b:s10+s2] =	stream.linear.scatter [tilespmem:s4], [sflag:$0x2], $0x8000, $0x38;
	[tilespmem:$0x8800] =	vst v63  }
.LBB2_3:
0xc7: {  	_ =	swait.ge @p0 [sflag:s3], $0x8000  }
0xc8: {  	[sflag:s3] =	ssyncset.done @p0 $0x0  }
0xc9: {  	s0 =	rddreg [dreg:$0x3];
	[sflag:s3] =	ssyncadd.s32 @p0 $0xFFFF8000  }
0xca: {  	[tilespmem:s2], [sflag:$0x2] =	stream.linear.gather [hbm4b:s0+s2], $0x800, $0x38;
	[tilespmem:$0x8800] =	vst v63  }
0xcb: {  	_ =	swait.ge [sflag:s3], $0x800  }
0xcc: {  	[sflag:s3] =	ssyncset.done $0x0;
	s10 =	rddreg [dreg:$0x5]  }
0xcd: {  	s0 =	rddreg [dreg:$0x6];
	[sflag:s3] =	ssyncadd.s32 $0xFFFFF800  }
0xce: {  	[tilespmem:s4], [sflag:$0x1] =	stream.indirect.gather [hbm4b:s6+s7], $0x10, s2, s7, $0xb8;
	[tilespmem:$0x8800] =	vst v63  }
0xcf: {  	s1 =	rddreg [dreg:$0x7]  }
0xd0: {  	[tilespmem:s10], [sflag:$0x1] =	stream.indirect.gather [hbm4b:s6+s7], $0x10, s7, s7, $0xb8;
	[tilespmem:$0x8800] =	vst v63  }
0xd1: {  	s8 =	rddreg [dreg:$0x9]  }
0xd2: {  	[tilespmem:s1], [sflag:$0x1] =	stream.indirect.gather [hbm4b:s6+s7], $0x10, s0, s7, $0xb8;
	[tilespmem:$0x8800] =	vst v63  }
0xd3: {  	s9 =	rddreg [dreg:$0x8]  }
0xd4: {  	[tilespmem:s8], [sflag:$0x1] =	stream.indirect.gather [hbm4b:s6+s7], $0x10, s9, s7, $0xb8;
	[tilespmem:$0x8800] =	vst v63  }
0xd5: {  	s10 =	simm.s32 $0x2800;
	s1 =	rddreg [dreg:$0xa]  }
0xd6: {  	[tilespmem:s10], [sflag:$0x1] =	stream.indirect.gather [hbm4b:s6+s7], $0x10, s1, s7, $0xb8;
	[tilespmem:$0x8800] =	vst v63  }
0xd7: {  	s9 =	simm.s32 $0x3000;
	s10 =	simm.s32 $0x280  }
0xd8: {  	[tilespmem:s9], [sflag:$0x1] =	stream.indirect.gather [hbm4b:s6+s7], $0x10, s10, s7, $0xb8;
	[tilespmem:$0x8800] =	vst v63  }
0xd9: {  	_ = 	snop  }
0xda: {  	[tilespmem:s12], [sflag:$0x1] =	stream.indirect.gather [hbm4b:s6+s7], $0x10, s11, s7, $0xb8;
	[tilespmem:$0x8800] =	vst v63  }
0xdb: {  	_ = 	snop  }
0xdc: {  	[tilespmem:s14], [sflag:$0x1] =	stream.indirect.gather [hbm4b:s6+s7], $0x10, s13, s7, $0xb8;
	[tilespmem:$0x8800] =	vst v63  }
0xdd: {  	_ = 	snop  }
0xde: {  	[tilespmem:s16], [sflag:$0x1] =	stream.indirect.gather [hbm4b:s6+s7], $0x10, s15, s7, $0xb8;
	[tilespmem:$0x8800] =	vst v63  }
0xdf: {  	_ = 	snop  }
0xe0: {  	[tilespmem:s18], [sflag:$0x1] =	stream.indirect.gather [hbm4b:s6+s7], $0x10, s17, s7, $0xb8;
	[tilespmem:$0x8800] =	vst v63  }
0xe1: {  	_ = 	snop  }
0xe2: {  	[tilespmem:s20], [sflag:$0x1] =	stream.indirect.gather [hbm4b:s6+s7], $0x10, s19, s7, $0xb8;
	[tilespmem:$0x8800] =	vst v63  }
0xe3: {  	_ = 	snop  }
0xe4: {  	[tilespmem:s22], [sflag:$0x1] =	stream.indirect.gather [hbm4b:s6+s7], $0x10, s21, s7, $0xb8;
	[tilespmem:$0x8800] =	vst v63  }
0xe5: {  	_ = 	snop  }
0xe6: {  	[tilespmem:s24], [sflag:$0x1] =	stream.indirect.gather [hbm4b:s6+s7], $0x10, s23, s7, $0xb8;
	[tilespmem:$0x8800] =	vst v63  }
0xe7: {  	_ = 	snop  }
0xe8: {  	[tilespmem:s26], [sflag:$0x1] =	stream.indirect.gather [hbm4b:s6+s7], $0x10, s25, s7, $0xb8;
	[tilespmem:$0x8800] =	vst v63  }
0xe9: {  	_ = 	snop  }
0xea: {  	[tilespmem:s29], [sflag:$0x1] =	stream.indirect.gather [hbm4b:s6+s7], $0x10, s28, s7, $0xb8;
	[tilespmem:$0x8800] =	vst v63  }
0xeb: {  	_ = 	snop  }
0xec: {  	[tilespmem:s31], [sflag:$0x1] =	stream.indirect.gather [hbm4b:s6+s7], $0x10, s30, s7, $0xb8;
	[tilespmem:$0x8800] =	vst v63  }
0xed: {  	_ =	swait.ge [sflag:s5], $0x800  }
0xee: {  	[sflag:s5] =	ssyncset.done $0x0  }
0xef: {  	[sflag:s5] =	ssyncadd.s32 $0xFFFFF800  }
0xf0: {  	_ =	swait.ge [sflag:s5], $0x800  }
0xf1: {  	[sflag:s5] =	ssyncset.done $0x0  }
0xf2: {  	[sflag:s5] =	ssyncadd.s32 $0xFFFFF800  }
0xf3: {  	_ =	swait.ge [sflag:s5], $0x800  }
0xf4: {  	[sflag:s5] =	ssyncset.done $0x0  }
0xf5: {  	[sflag:s5] =	ssyncadd.s32 $0xFFFFF800  }
0xf6: {  	_ =	swait.ge [sflag:s5], $0x800  }
0xf7: {  	[sflag:s5] =	ssyncset.done $0x0  }
0xf8: {  	[sflag:s5] =	ssyncadd.s32 $0xFFFFF800  }
0xf9: {  	_ =	swait.ge [sflag:s5], $0x800  }
0xfa: {  	[sflag:s5] =	ssyncset.done $0x0  }
0xfb: {  	[sflag:s5] =	ssyncadd.s32 $0xFFFFF800  }
0xfc: {  	_ =	swait.ge [sflag:s5], $0x800  }
0xfd: {  	[sflag:s5] =	ssyncset.done $0x0  }
0xfe: {  	[sflag:s5] =	ssyncadd.s32 $0xFFFFF800  }
0xff: {  	_ =	swait.ge [sflag:s5], $0x800  }
0x100: {  	[sflag:s5] =	ssyncset.done $0x0  }
0x101: {  	[sflag:s5] =	ssyncadd.s32 $0xFFFFF800  }
0x102: {  	_ =	swait.ge [sflag:s5], $0x800  }
0x103: {  	[sflag:s5] =	ssyncset.done $0x0  }
0x104: {  	[sflag:s5] =	ssyncadd.s32 $0xFFFFF800  }
0x105: {  	_ =	swait.ge [sflag:s5], $0x800  }
0x106: {  	[sflag:s5] =	ssyncset.done $0x0  }
0x107: {  	[sflag:s5] =	ssyncadd.s32 $0xFFFFF800  }
0x108: {  	_ =	swait.ge [sflag:s5], $0x800  }
0x109: {  	[sflag:s5] =	ssyncset.done $0x0  }
0x10a: {  	[sflag:s5] =	ssyncadd.s32 $0xFFFFF800  }
0x10b: {  	_ =	swait.ge [sflag:s5], $0x800  }
0x10c: {  	[sflag:s5] =	ssyncset.done $0x0  }
0x10d: {  	[sflag:s5] =	ssyncadd.s32 $0xFFFFF800  }
0x10e: {  	_ =	swait.ge [sflag:s5], $0x800  }
0x10f: {  	[sflag:s5] =	ssyncset.done $0x0  }
0x110: {  	[sflag:s5] =	ssyncadd.s32 $0xFFFFF800  }
0x111: {  	_ =	swait.ge [sflag:s5], $0x800  }
0x112: {  	[sflag:s5] =	ssyncset.done $0x0  }
0x113: {  	[sflag:s5] =	ssyncadd.s32 $0xFFFFF800  }
0x114: {  	_ =	swait.ge [sflag:s5], $0x800  }
0x115: {  	[sflag:s5] =	ssyncset.done $0x0  }
0x116: {  	[sflag:s5] =	ssyncadd.s32 $0xFFFFF800  }
0x117: {  	_ =	swait.ge [sflag:s5], $0x800  }
0x118: {  	[sflag:s5] =	ssyncset.done $0x0  }
0x119: {  	[sflag:s5] =	ssyncadd.s32 $0xFFFFF800  }
0x11a: {  	_ =	swait.ge [sflag:s5], $0x800  }
0x11b: {  	[sflag:s5] =	ssyncset.done $0x0  }
0x11c: {  	s30 =	rddreg [dreg:$0x4];
	[sflag:s5] =	ssyncadd.s32 $0xFFFFF800  }
0x11d: {  	[hbm4b:s30+s2] =	stream.linear.scatter [tilespmem:s4], [sflag:$0x2], $0x8000, $0x38;
	[tilespmem:$0x8800] =	vst v63  }
0x11e: {  	_ =	swait.ge [sflag:s3], $0x8000  }
0x11f: {  	[sflag:s3] =	ssyncset.done $0x0  }
0x120: {  	[sflag:s3] =	ssyncadd.s32 $0xFFFF8000  }
0x121: {  	_ =	sfence.sel $0x180000  }
0x122: {  	[bflag:$0x0] =	sbarrier.arrive $0xFFFF  }
0x123: {  	_ =	strace $0x90000047  }
0x124: {  	s31 =	stileid.u32;
	[bflag:$0x2] =	sbarrier.arrive $0xFFFF  }
0x125: {  	p0 =	sne.s32 s31, $0x0;
	s0 =	rddreg [dreg:$0x2]  }
0x126: {  	s0 =	sadd.s32 @!p0 $0x100000, s0  }
0x127: {  	[sflag:s0] =	ssyncadd.tile.s32 @!p0 $0x1;
	_ =	shalt  }
.Lfunc_end2:
_tile_overlayer_lowered:
.L_overlay_start_2:
0x128: {  	(tag) =	ssettag $0x2  }
0x129: {  	s0 =	rddreg [dreg:$0x0];
	s2 =	stileid.u32  }
0x12a: {  	s1 =	rddreg [dreg:$0x1];
	p0 =	sne.s32 s2, $0x0  }
0x12b: {  	s3 =	rddreg [dreg:$0x2];
	[bflag:$0x3] =	sbarrier.arrive $0xFFFF;
	s2 =	simm.s32 @!p0 $0x1C02  }
0x12c: {  	[timem:s3], [sflag:s2] =	dma.local @!p0 [hbm:s0], s1  }
0x12d: {  	s0 =	simm.s32 @!p0 $0x2  }
0x12e: {  	_ =	swait.ge @!p0 [sflag:s0], s1  }
0x12f: {  	s1 =	ssub.s32 @!p0 $0x0, s1;
	[sflag:s0] =	ssyncset.done @!p0 $0x0  }
0x130: {  	[sflag:s0] =	ssyncadd.s32 @!p0 s1  }
0x131: {  	[bflag:$0x3] =	sbarrier.arrive $0xFFFF  }
0x132: {  	_ =	shalt  }

</sc_bundles>
